<compile_context>
chip_gen: v7x
topology: tpu7x:2x2x1
jax: 0.10.2.dev20260603
libtpu: 0.0.44.dev20260713+nightly
codegen_flags: <defaults>
</compile_context>

<pallas_src>
import functools

import jax
import jax.numpy as jnp
from jax import lax
from jax.experimental import pallas as pl
from jax.experimental.pallas import tpu as pltpu
from jax.experimental.pallas import tpu_sc as plsc

N = 10000
E = 320000
F = 128

NC = 2
NS = 16
NW = NC * NS
EPT = E // NW
K = 80
NCHUNK = EPT // K
RPT = N // NS

BLK = 2000
NB = N // BLK


def _sc_segment_sum(x, edge4, zrows):
    mesh = plsc.VectorSubcoreMesh(core_axis_name="c", subcore_axis_name="s")

    @functools.partial(
        pl.kernel,
        out_type=jax.ShapeDtypeStruct((NC * N, F), jnp.bfloat16),
        mesh=mesh,
        scratch_types=[
            pltpu.VMEM((NCHUNK, K), jnp.int32),
            pltpu.VMEM((NCHUNK, K), jnp.int32),
            pltpu.VMEM((K, F), jnp.bfloat16),
            pltpu.VMEM((K, F), jnp.bfloat16),
            pltpu.VMEM((K, F), jnp.bfloat16),
            pltpu.VMEM_SHARED((N, F), jnp.bfloat16),
            pltpu.SemaphoreType.DMA,
            pltpu.SemaphoreType.DMA,
            pltpu.SemaphoreType.DMA,
            pltpu.SemaphoreType.DMA,
        ],
        compiler_params=pltpu.CompilerParams(use_tc_tiling_on_sc=False),
    )
    def seg_sum(x_hbm, edge_hbm, z_hbm, out_hbm,
                idx_s, idx_d, rows0, rows1, rows2, acc, sem0, sem1, sem2,
                isem):
        cid = lax.axis_index("c")
        sid = lax.axis_index("s")
        wid = sid * NC + cid

        base = sid * RPT

        @pl.when(cid == 0)
        def _():
            pltpu.async_copy(x_hbm.at[pl.ds(base, RPT)],
                             acc.at[pl.ds(base, RPT)], isem)

        @pl.when(cid == 1)
        def _():
            pltpu.async_copy(z_hbm, acc.at[pl.ds(base, RPT)], isem)

        pltpu.sync_copy(edge_hbm.at[0, wid], idx_s)
        pltpu.sync_copy(edge_hbm.at[1, wid], idx_d)

        pltpu.async_copy(x_hbm.at[idx_s.at[0]], rows0, sem0)
        pltpu.async_copy(x_hbm.at[idx_s.at[1]], rows1, sem1)
        pltpu.make_async_copy(z_hbm, acc.at[pl.ds(base, RPT)], isem).wait()
        plsc.subcore_barrier()

        def body(t, carry):
            c0 = 3 * t
            pltpu.async_copy(x_hbm.at[idx_s.at[c0 + 2]], rows2, sem2)
            pltpu.make_async_copy(x_hbm.at[idx_s.at[c0]], rows0, sem0).wait()
            pltpu.sync_copy(rows0, acc.at[idx_d.at[c0]], add=True)
            pltpu.async_copy(x_hbm.at[idx_s.at[c0 + 3]], rows0, sem0)
            pltpu.make_async_copy(x_hbm.at[idx_s.at[c0 + 1]], rows1,
                                  sem1).wait()
            pltpu.sync_copy(rows1, acc.at[idx_d.at[c0 + 1]], add=True)
            pltpu.async_copy(x_hbm.at[idx_s.at[c0 + 4]], rows1, sem1)
            pltpu.make_async_copy(x_hbm.at[idx_s.at[c0 + 2]], rows2,
                                  sem2).wait()
            pltpu.sync_copy(rows2, acc.at[idx_d.at[c0 + 2]], add=True)
            return carry
        lax.fori_loop(0, (NCHUNK - 2) // 3, body, 0)
        pltpu.make_async_copy(x_hbm.at[idx_s.at[NCHUNK - 2]], rows0,
                              sem0).wait()
        pltpu.sync_copy(rows0, acc.at[idx_d.at[NCHUNK - 2]], add=True)
        pltpu.make_async_copy(x_hbm.at[idx_s.at[NCHUNK - 1]], rows1,
                              sem1).wait()
        pltpu.sync_copy(rows1, acc.at[idx_d.at[NCHUNK - 1]], add=True)
        plsc.subcore_barrier()

        pltpu.sync_copy(acc.at[pl.ds(base, RPT)],
                        out_hbm.at[pl.ds(cid * N + base, RPT)])

    return seg_sum(x, edge4, zrows)


def _spectral_sigma(W_ref, u_row):
    Wm = W_ref[...]
    v = lax.dot_general(u_row, Wm, (((1,), (0,)), ((), ())),
                        preferred_element_type=jnp.float32)
    v = v / (jnp.sqrt(jnp.sum(v * v)) + 1e-12)
    w = lax.dot_general(v, Wm, (((1,), (1,)), ((), ())),
                        preferred_element_type=jnp.float32)
    wn = w / (jnp.sqrt(jnp.sum(w * w)) + 1e-12)
    return jnp.sum(wn * w)


def _tc_mlp(parts, W1, b1r, u1r, W2, b2r, u2r, gr, ber):
    def body(p0_ref, p1_ref, W1_ref, b1_ref, u1_ref, W2_ref, b2_ref,
             u2_ref, g_ref, be_ref, o_ref, ybuf, acc_ref, sig_ref):
        p = pl.program_id(0)
        i = pl.program_id(1)

        @pl.when(jnp.logical_and(p == 0, i == 0))
        def _():
            sig_ref[0] = _spectral_sigma(W1_ref, u1_ref[...])
            sig_ref[1] = _spectral_sigma(W2_ref, u2_ref[...])
            acc_ref[...] = jnp.zeros_like(acc_ref)

        @pl.when(p == 0)
        def _():
            sig1 = sig_ref[0]
            h = (p0_ref[...].astype(jnp.float32) +
                 p1_ref[...].astype(jnp.float32))
            y = lax.dot_general(h, W1_ref[...], (((1,), (1,)), ((), ())),
                                preferred_element_type=jnp.float32)
            y = jnp.maximum(y + sig1 * b1_ref[...], 0.0)
            ybuf[pl.ds(i * BLK, BLK), :] = y
            acc_ref[0:1, :] += jnp.sum(y, axis=0, keepdims=True)
            acc_ref[1:2, :] += jnp.sum(y * y, axis=0, keepdims=True)

        @pl.when(p == 1)
        def _():
            sig1 = sig_ref[0]
            sig2 = sig_ref[1]
            mean = acc_ref[0:1, :] * (1.0 / N)
            msq = acc_ref[1:2, :] * (1.0 / N)
            var = msq - mean * mean
            rstd = lax.rsqrt(var + 1e-5 * sig1 * sig1)
            scale = g_ref[...] * rstd
            shift = be_ref[...] - mean * scale
            t = ybuf[pl.ds(i * BLK, BLK), :] * scale + shift
            o = lax.dot_general(t, W2_ref[...], (((1,), (1,)), ((), ())),
                                preferred_element_type=jnp.float32)
            o_ref[...] = o * (1.0 / sig2) + b2_ref[...]

    cst = lambda p, i: (0, 0)
    ph0 = lambda p, i: ((1 - p) * i, 0)
    return pl.pallas_call(
        body,
        grid=(2, NB),
        in_specs=[
            pl.BlockSpec((BLK, F), ph0),
            pl.BlockSpec((BLK, F), lambda p, i: ((1 - p) * i + NB, 0)),
            pl.BlockSpec((F, F), cst),
            pl.BlockSpec((1, F), cst),
            pl.BlockSpec((1, F), cst),
            pl.BlockSpec((F, F), cst),
            pl.BlockSpec((1, F), cst),
            pl.BlockSpec((1, F), cst),
            pl.BlockSpec((1, F), cst),
            pl.BlockSpec((1, F), cst),
        ],
        out_specs=pl.BlockSpec((BLK, F), lambda p, i: (i, 0)),
        out_shape=jax.ShapeDtypeStruct((N, F), jnp.float32),
        scratch_shapes=[
            pltpu.VMEM((N, F), jnp.float32),
            pltpu.VMEM((8, F), jnp.float32),
            pltpu.SMEM((2,), jnp.float32),
        ],
        compiler_params=pltpu.CompilerParams(
            dimension_semantics=("arbitrary", "arbitrary")),
    )(parts, parts, W1, b1r, u1r, W2, b2r, u2r, gr, ber)


def kernel(x, edge_index, W1, b1, u1, W2, b2, u2, gamma, beta):
    edge4 = edge_index.astype(jnp.int32).reshape(2, NW, NCHUNK, K)
    zrows = jnp.zeros((RPT, F), jnp.bfloat16)
    parts = _sc_segment_sum(x.astype(jnp.bfloat16), edge4, zrows)
    return _tc_mlp(parts, W1, b1.reshape(1, F), u1.reshape(1, F),
                   W2, b2.reshape(1, F), u2.reshape(1, F),
                   gamma.reshape(1, F), beta.reshape(1, F))

# --- scband reference (transcript-rebuilt; emitter-appended) ---
"""Pipeline reference for scband-gin-1752346657103 (READ-ONLY COPY).

The authoritative reference and input builder live on the scoring server;
editing this copy changes nothing except your own understanding.
"""

import jax, jax.numpy as jnp
import numpy as np

N = 10000
E = 320000
NFEAT = 128
NHID = 128


def _spectral_norm(W, u):
    # one power iteration (torch spectral_norm default n_power_iterations=1)
    v = W.T @ u
    v = v / (jnp.linalg.norm(v) + 1e-12)
    u2 = W @ v
    u2 = u2 / (jnp.linalg.norm(u2) + 1e-12)
    sigma = jnp.dot(u2, W @ v)
    return W / sigma


def setup_inputs(seed: int = 0) -> dict:
    key = jax.random.key(seed)
    ks = jax.random.split(key, 10)
    x = jax.random.normal(ks[0], (N, NFEAT), dtype=jnp.float32)
    edge_index = jax.random.randint(ks[1], (2, E), 0, N)
    s1 = 1.0 / np.sqrt(NFEAT)
    W1 = jax.random.uniform(ks[2], (NHID, NFEAT), minval=-s1, maxval=s1, dtype=jnp.float32)
    b1 = jax.random.uniform(ks[3], (NHID,), minval=-s1, maxval=s1, dtype=jnp.float32)
    u1 = jax.random.normal(ks[4], (NHID,), dtype=jnp.float32)
    u1 = u1 / (jnp.linalg.norm(u1) + 1e-12)
    s2 = 1.0 / np.sqrt(NHID)
    W2 = jax.random.uniform(ks[5], (NHID, NHID), minval=-s2, maxval=s2, dtype=jnp.float32)
    b2 = jax.random.uniform(ks[6], (NHID,), minval=-s2, maxval=s2, dtype=jnp.float32)
    u2 = jax.random.normal(ks[7], (NHID,), dtype=jnp.float32)
    u2 = u2 / (jnp.linalg.norm(u2) + 1e-12)
    gamma = jnp.ones((NHID,), dtype=jnp.float32)
    beta = jnp.zeros((NHID,), dtype=jnp.float32)
    return {"x": x, "edge_index": edge_index, "W1": W1, "b1": b1, "u1": u1,
            "W2": W2, "b2": b2, "u2": u2, "gamma": gamma, "beta": beta}


def reference(x, edge_index, W1, b1, u1, W2, b2, u2, gamma, beta):
    # GINConv (eps=0, default): h = (1+eps)*x + sum_{j->i} x_j, then MLP
    src = edge_index[0]
    dst = edge_index[1]
    agg = jax.ops.segment_sum(x[src], dst, num_segments=N)
    h = x + agg
    # mlp1: spectral_norm(Linear) -> ReLU -> BatchNorm1d (training stats) -> spectral_norm(Linear)
    W1s = _spectral_norm(W1, u1)
    z = h @ W1s.T + b1
    z = jax.nn.relu(z)
    mean = jnp.mean(z, axis=0)
    var = jnp.var(z, axis=0)
    z = (z - mean) / jnp.sqrt(var + 1e-5) * gamma + beta
    W2s = _spectral_norm(W2, u2)
    out = z @ W2s.T + b2
    return out

if __name__ == "__main__":
    import jax
    _d = setup_inputs()
    print(jax.jit(kernel)(*tuple(_d.values())))

</pallas_src>

<mosaic_0001>
#map = affine_map<(d0, d1) -> (0, 0)>
#map1 = affine_map<(d0, d1) -> (0, 0, 0, 0)>
module attributes {stable_mosaic.version = 14 : i64} {
  func.func @seg_sum(%arg0: i32, %arg1: i32, %arg2: memref<10000x128xbf16, #tpu.memory_space<hbm>>, %arg3: memref<2x32x125x80xi32, #tpu.memory_space<hbm>>, %arg4: memref<625x128xbf16, #tpu.memory_space<hbm>>, %arg5: memref<20000x128xbf16, #tpu.memory_space<hbm>>, %arg6: memref<125x80xi32, #tpu.memory_space<vmem>>, %arg7: memref<125x80xi32, #tpu.memory_space<vmem>>, %arg8: memref<80x128xbf16, #tpu.memory_space<vmem>>, %arg9: memref<80x128xbf16, #tpu.memory_space<vmem>>, %arg10: memref<80x128xbf16, #tpu.memory_space<vmem>>, %arg11: memref<10000x128xbf16, #tpu.memory_space<vmem_shared>>, %arg12: memref<!tpu.dma_semaphore, #tpu.memory_space<semaphore_mem>>, %arg13: memref<!tpu.dma_semaphore, #tpu.memory_space<semaphore_mem>>, %arg14: memref<!tpu.dma_semaphore, #tpu.memory_space<semaphore_mem>>, %arg15: memref<!tpu.dma_semaphore, #tpu.memory_space<semaphore_mem>>) attributes {dimension_semantics = [#tpu.dimension_semantics<core_parallel>, #tpu.dimension_semantics<subcore_parallel>], iteration_bounds = array<i64: 2, 16>, scalar_prefetch = 0 : i64, scratch_operands = 10 : i64, tpu.core_type = #tpu.core_type<sc_vector_subcore>, window_params = [{transform_indices = #map}, {transform_indices = #map1}, {transform_indices = #map}, {transform_indices = #map}]} {
    %mul3A = arith.constant 2 : i32
    %mul3A_0 = arith.muli %arg1, %mul3A : i32
    %add3A = arith.addi %mul3A_0, %arg0 : i32
    %mul3A_1 = arith.constant 625 : i32
    %mul3A_2 = arith.muli %arg1, %mul3A_1 : i32
    %eq3A = arith.constant 0 : i32
    %eq3A_3 = arith.cmpi eq, %arg0, %eq3A : i32
    %convert_element_type3A = arith.extui %eq3A_3 : i1 to i32
    %cond3A = arith.constant 0 : i32
    %cond3A_4 = arith.cmpi ne, %convert_element_type3A, %cond3A : i32
    scf.if %cond3A_4 {
      %dma_start3A_50 = arith.constant 0 : i32
      %dma_start3A_51 = tpu.memref_slice %arg11[%mul3A_2, %dma_start3A_50] : memref<10000x128xbf16, #tpu.memory_space<vmem_shared>> -> memref<625x128xbf16, #tpu.memory_space<vmem_shared>>
      %dma_start3A_52 = arith.constant 0 : i32
      %dma_start3A_53 = tpu.memref_slice %arg2[%mul3A_2, %dma_start3A_52] : memref<10000x128xbf16, #tpu.memory_space<hbm>> -> memref<625x128xbf16, #tpu.memory_space<hbm>>
      tpu.enqueue_dma source(%dma_start3A_53 : memref<625x128xbf16, #tpu.memory_space<hbm>>) target(%dma_start3A_51 : memref<625x128xbf16, #tpu.memory_space<vmem_shared>>) target_semaphore(%arg15 : memref<!tpu.dma_semaphore, #tpu.memory_space<semaphore_mem>>)
    } else {
    }
    %eq3A_5 = arith.constant 1 : i32
    %eq3A_6 = arith.cmpi eq, %arg0, %eq3A_5 : i32
    %convert_element_type3A_7 = arith.extui %eq3A_6 : i1 to i32
    %cond3A_8 = arith.constant 0 : i32
    %cond3A_9 = arith.cmpi ne, %convert_element_type3A_7, %cond3A_8 : i32
    scf.if %cond3A_9 {
      %dma_start3A_50 = arith.constant 0 : i32
      %dma_start3A_51 = tpu.memref_slice %arg11[%mul3A_2, %dma_start3A_50] : memref<10000x128xbf16, #tpu.memory_space<vmem_shared>> -> memref<625x128xbf16, #tpu.memory_space<vmem_shared>>
      tpu.enqueue_dma source(%arg4 : memref<625x128xbf16, #tpu.memory_space<hbm>>) target(%dma_start3A_51 : memref<625x128xbf16, #tpu.memory_space<vmem_shared>>) target_semaphore(%arg15 : memref<!tpu.dma_semaphore, #tpu.memory_space<semaphore_mem>>)
    } else {
    }
    %run_scoped3A = arith.constant 0 : i32
    "tpu.region"() ({
      %run_scoped3A_50 = tpu.sem_alloc : memref<!tpu.dma_semaphore, #tpu.memory_space<semaphore_mem>>
      %dma_start3A_51 = arith.constant 0 : i32
      %dma_start3A_52 = arith.constant 0 : i32
      %dma_start3A_53 = tpu.memref_slice %arg3[%run_scoped3A, %add3A, %dma_start3A_51, %dma_start3A_52] : memref<2x32x125x80xi32, #tpu.memory_space<hbm>> -> memref<1x1x125x80xi32, #tpu.memory_space<hbm>>
      %dma_start3A_54 = tpu.memref_squeeze %dma_start3A_53 : memref<1x1x125x80xi32, #tpu.memory_space<hbm>> -> memref<125x80xi32, #tpu.memory_space<hbm>>
      %dma_start3A_55 = arith.constant 0 : i32
      %dma_start3A_56 = arith.constant 0 : i32
      %dma_start3A_57 = tpu.memref_slice %arg3[%run_scoped3A, %add3A, %dma_start3A_55, %dma_start3A_56] : memref<2x32x125x80xi32, #tpu.memory_space<hbm>> -> memref<1x1x125x80xi32, #tpu.memory_space<hbm>>
      %dma_start3A_58 = tpu.memref_squeeze %dma_start3A_57 : memref<1x1x125x80xi32, #tpu.memory_space<hbm>> -> memref<125x80xi32, #tpu.memory_space<hbm>>
      tpu.enqueue_dma source(%dma_start3A_58 : memref<125x80xi32, #tpu.memory_space<hbm>>) target(%arg6 : memref<125x80xi32, #tpu.memory_space<vmem>>) target_semaphore(%run_scoped3A_50 : memref<!tpu.dma_semaphore, #tpu.memory_space<semaphore_mem>>)
      %dma_wait3A_59 = arith.constant 0 : i32
      %dma_wait3A_60 = arith.constant 0 : i32
      %dma_wait3A_61 = tpu.memref_slice %arg3[%run_scoped3A, %add3A, %dma_wait3A_59, %dma_wait3A_60] : memref<2x32x125x80xi32, #tpu.memory_space<hbm>> -> memref<1x1x125x80xi32, #tpu.memory_space<hbm>>
      %dma_wait3A_62 = tpu.memref_squeeze %dma_wait3A_61 : memref<1x1x125x80xi32, #tpu.memory_space<hbm>> -> memref<125x80xi32, #tpu.memory_space<hbm>>
      %dma_wait3A_63 = arith.constant 0 : i32
      %dma_wait3A_64 = arith.constant 0 : i32
      %dma_wait3A_65 = tpu.memref_slice %arg3[%run_scoped3A, %add3A, %dma_wait3A_63, %dma_wait3A_64] : memref<2x32x125x80xi32, #tpu.memory_space<hbm>> -> memref<1x1x125x80xi32, #tpu.memory_space<hbm>>
      %dma_wait3A_66 = tpu.memref_squeeze %dma_wait3A_65 : memref<1x1x125x80xi32, #tpu.memory_space<hbm>> -> memref<125x80xi32, #tpu.memory_space<hbm>>
      tpu.wait_dma2 semaphore(%run_scoped3A_50 : memref<!tpu.dma_semaphore, #tpu.memory_space<semaphore_mem>>) src(%dma_wait3A_66 : memref<125x80xi32, #tpu.memory_space<hbm>>) dst(%arg6 : memref<125x80xi32, #tpu.memory_space<vmem>>)
      tpu.yield
    }) : () -> ()
    %run_scoped3A_10 = arith.constant 1 : i32
    "tpu.region"() ({
      %run_scoped3A_50 = tpu.sem_alloc : memref<!tpu.dma_semaphore, #tpu.memory_space<semaphore_mem>>
      %dma_start3A_51 = arith.constant 0 : i32
      %dma_start3A_52 = arith.constant 0 : i32
      %dma_start3A_53 = tpu.memref_slice %arg3[%run_scoped3A_10, %add3A, %dma_start3A_51, %dma_start3A_52] : memref<2x32x125x80xi32, #tpu.memory_space<hbm>> -> memref<1x1x125x80xi32, #tpu.memory_space<hbm>>
      %dma_start3A_54 = tpu.memref_squeeze %dma_start3A_53 : memref<1x1x125x80xi32, #tpu.memory_space<hbm>> -> memref<125x80xi32, #tpu.memory_space<hbm>>
      %dma_start3A_55 = arith.constant 0 : i32
      %dma_start3A_56 = arith.constant 0 : i32
      %dma_start3A_57 = tpu.memref_slice %arg3[%run_scoped3A_10, %add3A, %dma_start3A_55, %dma_start3A_56] : memref<2x32x125x80xi32, #tpu.memory_space<hbm>> -> memref<1x1x125x80xi32, #tpu.memory_space<hbm>>
      %dma_start3A_58 = tpu.memref_squeeze %dma_start3A_57 : memref<1x1x125x80xi32, #tpu.memory_space<hbm>> -> memref<125x80xi32, #tpu.memory_space<hbm>>
      tpu.enqueue_dma source(%dma_start3A_58 : memref<125x80xi32, #tpu.memory_space<hbm>>) target(%arg7 : memref<125x80xi32, #tpu.memory_space<vmem>>) target_semaphore(%run_scoped3A_50 : memref<!tpu.dma_semaphore, #tpu.memory_space<semaphore_mem>>)
      %dma_wait3A_59 = arith.constant 0 : i32
      %dma_wait3A_60 = arith.constant 0 : i32
      %dma_wait3A_61 = tpu.memref_slice %arg3[%run_scoped3A_10, %add3A, %dma_wait3A_59, %dma_wait3A_60] : memref<2x32x125x80xi32, #tpu.memory_space<hbm>> -> memref<1x1x125x80xi32, #tpu.memory_space<hbm>>
      %dma_wait3A_62 = tpu.memref_squeeze %dma_wait3A_61 : memref<1x1x125x80xi32, #tpu.memory_space<hbm>> -> memref<125x80xi32, #tpu.memory_space<hbm>>
      %dma_wait3A_63 = arith.constant 0 : i32
      %dma_wait3A_64 = arith.constant 0 : i32
      %dma_wait3A_65 = tpu.memref_slice %arg3[%run_scoped3A_10, %add3A, %dma_wait3A_63, %dma_wait3A_64] : memref<2x32x125x80xi32, #tpu.memory_space<hbm>> -> memref<1x1x125x80xi32, #tpu.memory_space<hbm>>
      %dma_wait3A_66 = tpu.memref_squeeze %dma_wait3A_65 : memref<1x1x125x80xi32, #tpu.memory_space<hbm>> -> memref<125x80xi32, #tpu.memory_space<hbm>>
      tpu.wait_dma2 semaphore(%run_scoped3A_50 : memref<!tpu.dma_semaphore, #tpu.memory_space<semaphore_mem>>) src(%dma_wait3A_66 : memref<125x80xi32, #tpu.memory_space<hbm>>) dst(%arg7 : memref<125x80xi32, #tpu.memory_space<vmem>>)
      tpu.yield
    }) : () -> ()
    %dma_start3A = arith.constant 0 : i32
    %dma_start3A_11 = arith.constant 0 : i32
    %dma_start3A_12 = tpu.memref_slice %arg6[%dma_start3A, %dma_start3A_11] : memref<125x80xi32, #tpu.memory_space<vmem>> -> memref<1x80xi32, #tpu.memory_space<vmem>>
    %dma_start3A_13 = tpu.memref_squeeze %dma_start3A_12 : memref<1x80xi32, #tpu.memory_space<vmem>> -> memref<80xi32, #tpu.memory_space<vmem>>
    %dma_start3A_14 = arith.constant 0 : i32
    %dma_start3A_15 = arith.constant 0 : i32
    %dma_start3A_16 = tpu.memref_slice %arg2[%dma_start3A_14, %dma_start3A_15] : memref<10000x128xbf16, #tpu.memory_space<hbm>> -> memref<10000x128xbf16, #tpu.memory_space<hbm>>
    tpu.enqueue_indirect_dma source(%dma_start3A_16 : memref<10000x128xbf16, #tpu.memory_space<hbm>>) target(%arg8 : memref<80x128xbf16, #tpu.memory_space<vmem>>) offsets(%dma_start3A_13 : memref<80xi32, #tpu.memory_space<vmem>>) semaphore(%arg12 : memref<!tpu.dma_semaphore, #tpu.memory_space<semaphore_mem>>)
    %dma_start3A_17 = arith.constant 1 : i32
    %dma_start3A_18 = arith.constant 0 : i32
    %dma_start3A_19 = tpu.memref_slice %arg6[%dma_start3A_17, %dma_start3A_18] : memref<125x80xi32, #tpu.memory_space<vmem>> -> memref<1x80xi32, #tpu.memory_space<vmem>>
    %dma_start3A_20 = tpu.memref_squeeze %dma_start3A_19 : memref<1x80xi32, #tpu.memory_space<vmem>> -> memref<80xi32, #tpu.memory_space<vmem>>
    %dma_start3A_21 = arith.constant 0 : i32
    %dma_start3A_22 = arith.constant 0 : i32
    %dma_start3A_23 = tpu.memref_slice %arg2[%dma_start3A_21, %dma_start3A_22] : memref<10000x128xbf16, #tpu.memory_space<hbm>> -> memref<10000x128xbf16, #tpu.memory_space<hbm>>
    tpu.enqueue_indirect_dma source(%dma_start3A_23 : memref<10000x128xbf16, #tpu.memory_space<hbm>>) target(%arg9 : memref<80x128xbf16, #tpu.memory_space<vmem>>) offsets(%dma_start3A_20 : memref<80xi32, #tpu.memory_space<vmem>>) semaphore(%arg13 : memref<!tpu.dma_semaphore, #tpu.memory_space<semaphore_mem>>)
    %dma_wait3A = arith.constant 0 : i32
    %dma_wait3A_24 = tpu.memref_slice %arg11[%mul3A_2, %dma_wait3A] : memref<10000x128xbf16, #tpu.memory_space<vmem_shared>> -> memref<625x128xbf16, #tpu.memory_space<vmem_shared>>
    tpu.wait_dma2 semaphore(%arg15 : memref<!tpu.dma_semaphore, #tpu.memory_space<semaphore_mem>>) src(%arg4 : memref<625x128xbf16, #tpu.memory_space<hbm>>) dst(%dma_wait3A_24 : memref<625x128xbf16, #tpu.memory_space<vmem_shared>>)
    %barrier3A = arith.constant 0 : index
    tpu.barrier barrier_id(%barrier3A)
    %scan3A = arith.constant 0 : i32
    %scan3A_25 = arith.constant 0 : i32
    %scan3A_26 = arith.constant 41 : i32
    %scan3A_27 = arith.addi %scan3A_25, %scan3A_26 : i32
    %scan3A_28 = arith.constant 1 : i32
    scf.for %scan3A_50 = %scan3A_25 to %scan3A_27 step %scan3A_28  : i32 {
      %mul3A_51 = arith.constant 3 : i32
      %mul3A_52 = arith.muli %mul3A_51, %scan3A_50 : i32
      %add3A_53 = arith.constant 2 : i32
      %add3A_54 = arith.addi %mul3A_52, %add3A_53 : i32
      %dma_start3A_55 = arith.constant 0 : i32
      %dma_start3A_56 = tpu.memref_slice %arg6[%add3A_54, %dma_start3A_55] : memref<125x80xi32, #tpu.memory_space<vmem>> -> memref<1x80xi32, #tpu.memory_space<vmem>>
      %dma_start3A_57 = tpu.memref_squeeze %dma_start3A_56 : memref<1x80xi32, #tpu.memory_space<vmem>> -> memref<80xi32, #tpu.memory_space<vmem>>
      %dma_start3A_58 = arith.constant 0 : i32
      %dma_start3A_59 = arith.constant 0 : i32
      %dma_start3A_60 = tpu.memref_slice %arg2[%dma_start3A_58, %dma_start3A_59] : memref<10000x128xbf16, #tpu.memory_space<hbm>> -> memref<10000x128xbf16, #tpu.memory_space<hbm>>
      tpu.enqueue_indirect_dma source(%dma_start3A_60 : memref<10000x128xbf16, #tpu.memory_space<hbm>>) target(%arg10 : memref<80x128xbf16, #tpu.memory_space<vmem>>) offsets(%dma_start3A_57 : memref<80xi32, #tpu.memory_space<vmem>>) semaphore(%arg14 : memref<!tpu.dma_semaphore, #tpu.memory_space<semaphore_mem>>)
      %dma_wait3A_61 = arith.constant 0 : i32
      %dma_wait3A_62 = tpu.memref_slice %arg6[%mul3A_52, %dma_wait3A_61] : memref<125x80xi32, #tpu.memory_space<vmem>> -> memref<1x80xi32, #tpu.memory_space<vmem>>
      %dma_wait3A_63 = tpu.memref_squeeze %dma_wait3A_62 : memref<1x80xi32, #tpu.memory_space<vmem>> -> memref<80xi32, #tpu.memory_space<vmem>>
      %dma_wait3A_64 = arith.constant 0 : i32
      %dma_wait3A_65 = arith.constant 0 : i32
      %dma_wait3A_66 = tpu.memref_slice %arg2[%dma_wait3A_64, %dma_wait3A_65] : memref<10000x128xbf16, #tpu.memory_space<hbm>> -> memref<10000x128xbf16, #tpu.memory_space<hbm>>
      tpu.wait_indirect_dma semaphore(%arg12 : memref<!tpu.dma_semaphore, #tpu.memory_space<semaphore_mem>>) src(%dma_wait3A_66 : memref<10000x128xbf16, #tpu.memory_space<hbm>>) dst(%arg8 : memref<80x128xbf16, #tpu.memory_space<vmem>>)
      "tpu.region"() ({
        %run_scoped3A_103 = tpu.sem_alloc : memref<!tpu.dma_semaphore, #tpu.memory_space<semaphore_mem>>
        %dma_start3A_104 = arith.constant 0 : i32
        %dma_start3A_105 = tpu.memref_slice %arg7[%mul3A_52, %dma_start3A_104] : memref<125x80xi32, #tpu.memory_space<vmem>> -> memref<1x80xi32, #tpu.memory_space<vmem>>
        %dma_start3A_106 = tpu.memref_squeeze %dma_start3A_105 : memref<1x80xi32, #tpu.memory_space<vmem>> -> memref<80xi32, #tpu.memory_space<vmem>>
        %dma_start3A_107 = arith.constant 0 : i32
        %dma_start3A_108 = arith.constant 0 : i32
        %dma_start3A_109 = tpu.memref_slice %arg11[%dma_start3A_107, %dma_start3A_108] : memref<10000x128xbf16, #tpu.memory_space<vmem_shared>> -> memref<10000x128xbf16, #tpu.memory_space<vmem_shared>>
        tpu.enqueue_indirect_dma source(%arg8 : memref<80x128xbf16, #tpu.memory_space<vmem>>) target(%dma_start3A_109 : memref<10000x128xbf16, #tpu.memory_space<vmem_shared>>) offsets(%dma_start3A_106 : memref<80xi32, #tpu.memory_space<vmem>>) semaphore(%run_scoped3A_103 : memref<!tpu.dma_semaphore, #tpu.memory_space<semaphore_mem>>) {add = true}
        %dma_wait3A_110 = arith.constant 0 : i32
        %dma_wait3A_111 = tpu.memref_slice %arg7[%mul3A_52, %dma_wait3A_110] : memref<125x80xi32, #tpu.memory_space<vmem>> -> memref<1x80xi32, #tpu.memory_space<vmem>>
        %dma_wait3A_112 = tpu.memref_squeeze %dma_wait3A_111 : memref<1x80xi32, #tpu.memory_space<vmem>> -> memref<80xi32, #tpu.memory_space<vmem>>
        %dma_wait3A_113 = arith.constant 0 : i32
        %dma_wait3A_114 = arith.constant 0 : i32
        %dma_wait3A_115 = tpu.memref_slice %arg11[%dma_wait3A_113, %dma_wait3A_114] : memref<10000x128xbf16, #tpu.memory_space<vmem_shared>> -> memref<10000x128xbf16, #tpu.memory_space<vmem_shared>>
        tpu.wait_indirect_dma semaphore(%run_scoped3A_103 : memref<!tpu.dma_semaphore, #tpu.memory_space<semaphore_mem>>) src(%arg8 : memref<80x128xbf16, #tpu.memory_space<vmem>>) dst(%dma_wait3A_115 : memref<10000x128xbf16, #tpu.memory_space<vmem_shared>>)
        tpu.yield
      }) : () -> ()
      %add3A_67 = arith.constant 3 : i32
      %add3A_68 = arith.addi %mul3A_52, %add3A_67 : i32
      %dma_start3A_69 = arith.constant 0 : i32
      %dma_start3A_70 = tpu.memref_slice %arg6[%add3A_68, %dma_start3A_69] : memref<125x80xi32, #tpu.memory_space<vmem>> -> memref<1x80xi32, #tpu.memory_space<vmem>>
      %dma_start3A_71 = tpu.memref_squeeze %dma_start3A_70 : memref<1x80xi32, #tpu.memory_space<vmem>> -> memref<80xi32, #tpu.memory_space<vmem>>
      %dma_start3A_72 = arith.constant 0 : i32
      %dma_start3A_73 = arith.constant 0 : i32
      %dma_start3A_74 = tpu.memref_slice %arg2[%dma_start3A_72, %dma_start3A_73] : memref<10000x128xbf16, #tpu.memory_space<hbm>> -> memref<10000x128xbf16, #tpu.memory_space<hbm>>
      tpu.enqueue_indirect_dma source(%dma_start3A_74 : memref<10000x128xbf16, #tpu.memory_space<hbm>>) target(%arg8 : memref<80x128xbf16, #tpu.memory_space<vmem>>) offsets(%dma_start3A_71 : memref<80xi32, #tpu.memory_space<vmem>>) semaphore(%arg12 : memref<!tpu.dma_semaphore, #tpu.memory_space<semaphore_mem>>)
      %add3A_75 = arith.constant 1 : i32
      %add3A_76 = arith.addi %mul3A_52, %add3A_75 : i32
      %dma_wait3A_77 = arith.constant 0 : i32
      %dma_wait3A_78 = tpu.memref_slice %arg6[%add3A_76, %dma_wait3A_77] : memref<125x80xi32, #tpu.memory_space<vmem>> -> memref<1x80xi32, #tpu.memory_space<vmem>>
      %dma_wait3A_79 = tpu.memref_squeeze %dma_wait3A_78 : memref<1x80xi32, #tpu.memory_space<vmem>> -> memref<80xi32, #tpu.memory_space<vmem>>
      %dma_wait3A_80 = arith.constant 0 : i32
      %dma_wait3A_81 = arith.constant 0 : i32
      %dma_wait3A_82 = tpu.memref_slice %arg2[%dma_wait3A_80, %dma_wait3A_81] : memref<10000x128xbf16, #tpu.memory_space<hbm>> -> memref<10000x128xbf16, #tpu.memory_space<hbm>>
      tpu.wait_indirect_dma semaphore(%arg13 : memref<!tpu.dma_semaphore, #tpu.memory_space<semaphore_mem>>) src(%dma_wait3A_82 : memref<10000x128xbf16, #tpu.memory_space<hbm>>) dst(%arg9 : memref<80x128xbf16, #tpu.memory_space<vmem>>)
      %add3A_83 = arith.constant 1 : i32
      %add3A_84 = arith.addi %mul3A_52, %add3A_83 : i32
      "tpu.region"() ({
        %run_scoped3A_103 = tpu.sem_alloc : memref<!tpu.dma_semaphore, #tpu.memory_space<semaphore_mem>>
        %dma_start3A_104 = arith.constant 0 : i32
        %dma_start3A_105 = tpu.memref_slice %arg7[%add3A_84, %dma_start3A_104] : memref<125x80xi32, #tpu.memory_space<vmem>> -> memref<1x80xi32, #tpu.memory_space<vmem>>
        %dma_start3A_106 = tpu.memref_squeeze %dma_start3A_105 : memref<1x80xi32, #tpu.memory_space<vmem>> -> memref<80xi32, #tpu.memory_space<vmem>>
        %dma_start3A_107 = arith.constant 0 : i32
        %dma_start3A_108 = arith.constant 0 : i32
        %dma_start3A_109 = tpu.memref_slice %arg11[%dma_start3A_107, %dma_start3A_108] : memref<10000x128xbf16, #tpu.memory_space<vmem_shared>> -> memref<10000x128xbf16, #tpu.memory_space<vmem_shared>>
        tpu.enqueue_indirect_dma source(%arg9 : memref<80x128xbf16, #tpu.memory_space<vmem>>) target(%dma_start3A_109 : memref<10000x128xbf16, #tpu.memory_space<vmem_shared>>) offsets(%dma_start3A_106 : memref<80xi32, #tpu.memory_space<vmem>>) semaphore(%run_scoped3A_103 : memref<!tpu.dma_semaphore, #tpu.memory_space<semaphore_mem>>) {add = true}
        %dma_wait3A_110 = arith.constant 0 : i32
        %dma_wait3A_111 = tpu.memref_slice %arg7[%add3A_84, %dma_wait3A_110] : memref<125x80xi32, #tpu.memory_space<vmem>> -> memref<1x80xi32, #tpu.memory_space<vmem>>
        %dma_wait3A_112 = tpu.memref_squeeze %dma_wait3A_111 : memref<1x80xi32, #tpu.memory_space<vmem>> -> memref<80xi32, #tpu.memory_space<vmem>>
        %dma_wait3A_113 = arith.constant 0 : i32
        %dma_wait3A_114 = arith.constant 0 : i32
        %dma_wait3A_115 = tpu.memref_slice %arg11[%dma_wait3A_113, %dma_wait3A_114] : memref<10000x128xbf16, #tpu.memory_space<vmem_shared>> -> memref<10000x128xbf16, #tpu.memory_space<vmem_shared>>
        tpu.wait_indirect_dma semaphore(%run_scoped3A_103 : memref<!tpu.dma_semaphore, #tpu.memory_space<semaphore_mem>>) src(%arg9 : memref<80x128xbf16, #tpu.memory_space<vmem>>) dst(%dma_wait3A_115 : memref<10000x128xbf16, #tpu.memory_space<vmem_shared>>)
        tpu.yield
      }) : () -> ()
      %add3A_85 = arith.constant 4 : i32
      %add3A_86 = arith.addi %mul3A_52, %add3A_85 : i32
      %dma_start3A_87 = arith.constant 0 : i32
      %dma_start3A_88 = tpu.memref_slice %arg6[%add3A_86, %dma_start3A_87] : memref<125x80xi32, #tpu.memory_space<vmem>> -> memref<1x80xi32, #tpu.memory_space<vmem>>
      %dma_start3A_89 = tpu.memref_squeeze %dma_start3A_88 : memref<1x80xi32, #tpu.memory_space<vmem>> -> memref<80xi32, #tpu.memory_space<vmem>>
      %dma_start3A_90 = arith.constant 0 : i32
      %dma_start3A_91 = arith.constant 0 : i32
      %dma_start3A_92 = tpu.memref_slice %arg2[%dma_start3A_90, %dma_start3A_91] : memref<10000x128xbf16, #tpu.memory_space<hbm>> -> memref<10000x128xbf16, #tpu.memory_space<hbm>>
      tpu.enqueue_indirect_dma source(%dma_start3A_92 : memref<10000x128xbf16, #tpu.memory_space<hbm>>) target(%arg9 : memref<80x128xbf16, #tpu.memory_space<vmem>>) offsets(%dma_start3A_89 : memref<80xi32, #tpu.memory_space<vmem>>) semaphore(%arg13 : memref<!tpu.dma_semaphore, #tpu.memory_space<semaphore_mem>>)
      %add3A_93 = arith.constant 2 : i32
      %add3A_94 = arith.addi %mul3A_52, %add3A_93 : i32
      %dma_wait3A_95 = arith.constant 0 : i32
      %dma_wait3A_96 = tpu.memref_slice %arg6[%add3A_94, %dma_wait3A_95] : memref<125x80xi32, #tpu.memory_space<vmem>> -> memref<1x80xi32, #tpu.memory_space<vmem>>
      %dma_wait3A_97 = tpu.memref_squeeze %dma_wait3A_96 : memref<1x80xi32, #tpu.memory_space<vmem>> -> memref<80xi32, #tpu.memory_space<vmem>>
      %dma_wait3A_98 = arith.constant 0 : i32
      %dma_wait3A_99 = arith.constant 0 : i32
      %dma_wait3A_100 = tpu.memref_slice %arg2[%dma_wait3A_98, %dma_wait3A_99] : memref<10000x128xbf16, #tpu.memory_space<hbm>> -> memref<10000x128xbf16, #tpu.memory_space<hbm>>
      tpu.wait_indirect_dma semaphore(%arg14 : memref<!tpu.dma_semaphore, #tpu.memory_space<semaphore_mem>>) src(%dma_wait3A_100 : memref<10000x128xbf16, #tpu.memory_space<hbm>>) dst(%arg10 : memref<80x128xbf16, #tpu.memory_space<vmem>>)
      %add3A_101 = arith.constant 2 : i32
      %add3A_102 = arith.addi %mul3A_52, %add3A_101 : i32
      "tpu.region"() ({
        %run_scoped3A_103 = tpu.sem_alloc : memref<!tpu.dma_semaphore, #tpu.memory_space<semaphore_mem>>
        %dma_start3A_104 = arith.constant 0 : i32
        %dma_start3A_105 = tpu.memref_slice %arg7[%add3A_102, %dma_start3A_104] : memref<125x80xi32, #tpu.memory_space<vmem>> -> memref<1x80xi32, #tpu.memory_space<vmem>>
        %dma_start3A_106 = tpu.memref_squeeze %dma_start3A_105 : memref<1x80xi32, #tpu.memory_space<vmem>> -> memref<80xi32, #tpu.memory_space<vmem>>
        %dma_start3A_107 = arith.constant 0 : i32
        %dma_start3A_108 = arith.constant 0 : i32
        %dma_start3A_109 = tpu.memref_slice %arg11[%dma_start3A_107, %dma_start3A_108] : memref<10000x128xbf16, #tpu.memory_space<vmem_shared>> -> memref<10000x128xbf16, #tpu.memory_space<vmem_shared>>
        tpu.enqueue_indirect_dma source(%arg10 : memref<80x128xbf16, #tpu.memory_space<vmem>>) target(%dma_start3A_109 : memref<10000x128xbf16, #tpu.memory_space<vmem_shared>>) offsets(%dma_start3A_106 : memref<80xi32, #tpu.memory_space<vmem>>) semaphore(%run_scoped3A_103 : memref<!tpu.dma_semaphore, #tpu.memory_space<semaphore_mem>>) {add = true}
        %dma_wait3A_110 = arith.constant 0 : i32
        %dma_wait3A_111 = tpu.memref_slice %arg7[%add3A_102, %dma_wait3A_110] : memref<125x80xi32, #tpu.memory_space<vmem>> -> memref<1x80xi32, #tpu.memory_space<vmem>>
        %dma_wait3A_112 = tpu.memref_squeeze %dma_wait3A_111 : memref<1x80xi32, #tpu.memory_space<vmem>> -> memref<80xi32, #tpu.memory_space<vmem>>
        %dma_wait3A_113 = arith.constant 0 : i32
        %dma_wait3A_114 = arith.constant 0 : i32
        %dma_wait3A_115 = tpu.memref_slice %arg11[%dma_wait3A_113, %dma_wait3A_114] : memref<10000x128xbf16, #tpu.memory_space<vmem_shared>> -> memref<10000x128xbf16, #tpu.memory_space<vmem_shared>>
        tpu.wait_indirect_dma semaphore(%run_scoped3A_103 : memref<!tpu.dma_semaphore, #tpu.memory_space<semaphore_mem>>) src(%arg10 : memref<80x128xbf16, #tpu.memory_space<vmem>>) dst(%dma_wait3A_115 : memref<10000x128xbf16, #tpu.memory_space<vmem_shared>>)
        tpu.yield
      }) : () -> ()
    }
    %scan3A_29 = arith.constant 41 : i32
    %dma_wait3A_30 = arith.constant 123 : i32
    %dma_wait3A_31 = arith.constant 0 : i32
    %dma_wait3A_32 = tpu.memref_slice %arg6[%dma_wait3A_30, %dma_wait3A_31] : memref<125x80xi32, #tpu.memory_space<vmem>> -> memref<1x80xi32, #tpu.memory_space<vmem>>
    %dma_wait3A_33 = tpu.memref_squeeze %dma_wait3A_32 : memref<1x80xi32, #tpu.memory_space<vmem>> -> memref<80xi32, #tpu.memory_space<vmem>>
    %dma_wait3A_34 = arith.constant 0 : i32
    %dma_wait3A_35 = arith.constant 0 : i32
    %dma_wait3A_36 = tpu.memref_slice %arg2[%dma_wait3A_34, %dma_wait3A_35] : memref<10000x128xbf16, #tpu.memory_space<hbm>> -> memref<10000x128xbf16, #tpu.memory_space<hbm>>
    tpu.wait_indirect_dma semaphore(%arg12 : memref<!tpu.dma_semaphore, #tpu.memory_space<semaphore_mem>>) src(%dma_wait3A_36 : memref<10000x128xbf16, #tpu.memory_space<hbm>>) dst(%arg8 : memref<80x128xbf16, #tpu.memory_space<vmem>>)
    %run_scoped3A_37 = arith.constant 123 : i32
    "tpu.region"() ({
      %run_scoped3A_50 = tpu.sem_alloc : memref<!tpu.dma_semaphore, #tpu.memory_space<semaphore_mem>>
      %dma_start3A_51 = arith.constant 0 : i32
      %dma_start3A_52 = tpu.memref_slice %arg7[%run_scoped3A_37, %dma_start3A_51] : memref<125x80xi32, #tpu.memory_space<vmem>> -> memref<1x80xi32, #tpu.memory_space<vmem>>
      %dma_start3A_53 = tpu.memref_squeeze %dma_start3A_52 : memref<1x80xi32, #tpu.memory_space<vmem>> -> memref<80xi32, #tpu.memory_space<vmem>>
      %dma_start3A_54 = arith.constant 0 : i32
      %dma_start3A_55 = arith.constant 0 : i32
      %dma_start3A_56 = tpu.memref_slice %arg11[%dma_start3A_54, %dma_start3A_55] : memref<10000x128xbf16, #tpu.memory_space<vmem_shared>> -> memref<10000x128xbf16, #tpu.memory_space<vmem_shared>>
      tpu.enqueue_indirect_dma source(%arg8 : memref<80x128xbf16, #tpu.memory_space<vmem>>) target(%dma_start3A_56 : memref<10000x128xbf16, #tpu.memory_space<vmem_shared>>) offsets(%dma_start3A_53 : memref<80xi32, #tpu.memory_space<vmem>>) semaphore(%run_scoped3A_50 : memref<!tpu.dma_semaphore, #tpu.memory_space<semaphore_mem>>) {add = true}
      %dma_wait3A_57 = arith.constant 0 : i32
      %dma_wait3A_58 = tpu.memref_slice %arg7[%run_scoped3A_37, %dma_wait3A_57] : memref<125x80xi32, #tpu.memory_space<vmem>> -> memref<1x80xi32, #tpu.memory_space<vmem>>
      %dma_wait3A_59 = tpu.memref_squeeze %dma_wait3A_58 : memref<1x80xi32, #tpu.memory_space<vmem>> -> memref<80xi32, #tpu.memory_space<vmem>>
      %dma_wait3A_60 = arith.constant 0 : i32
      %dma_wait3A_61 = arith.constant 0 : i32
      %dma_wait3A_62 = tpu.memref_slice %arg11[%dma_wait3A_60, %dma_wait3A_61] : memref<10000x128xbf16, #tpu.memory_space<vmem_shared>> -> memref<10000x128xbf16, #tpu.memory_space<vmem_shared>>
      tpu.wait_indirect_dma semaphore(%run_scoped3A_50 : memref<!tpu.dma_semaphore, #tpu.memory_space<semaphore_mem>>) src(%arg8 : memref<80x128xbf16, #tpu.memory_space<vmem>>) dst(%dma_wait3A_62 : memref<10000x128xbf16, #tpu.memory_space<vmem_shared>>)
      tpu.yield
    }) : () -> ()
    %dma_wait3A_38 = arith.constant 124 : i32
    %dma_wait3A_39 = arith.constant 0 : i32
    %dma_wait3A_40 = tpu.memref_slice %arg6[%dma_wait3A_38, %dma_wait3A_39] : memref<125x80xi32, #tpu.memory_space<vmem>> -> memref<1x80xi32, #tpu.memory_space<vmem>>
    %dma_wait3A_41 = tpu.memref_squeeze %dma_wait3A_40 : memref<1x80xi32, #tpu.memory_space<vmem>> -> memref<80xi32, #tpu.memory_space<vmem>>
    %dma_wait3A_42 = arith.constant 0 : i32
    %dma_wait3A_43 = arith.constant 0 : i32
    %dma_wait3A_44 = tpu.memref_slice %arg2[%dma_wait3A_42, %dma_wait3A_43] : memref<10000x128xbf16, #tpu.memory_space<hbm>> -> memref<10000x128xbf16, #tpu.memory_space<hbm>>
    tpu.wait_indirect_dma semaphore(%arg13 : memref<!tpu.dma_semaphore, #tpu.memory_space<semaphore_mem>>) src(%dma_wait3A_44 : memref<10000x128xbf16, #tpu.memory_space<hbm>>) dst(%arg9 : memref<80x128xbf16, #tpu.memory_space<vmem>>)
    %run_scoped3A_45 = arith.constant 124 : i32
    "tpu.region"() ({
      %run_scoped3A_50 = tpu.sem_alloc : memref<!tpu.dma_semaphore, #tpu.memory_space<semaphore_mem>>
      %dma_start3A_51 = arith.constant 0 : i32
      %dma_start3A_52 = tpu.memref_slice %arg7[%run_scoped3A_45, %dma_start3A_51] : memref<125x80xi32, #tpu.memory_space<vmem>> -> memref<1x80xi32, #tpu.memory_space<vmem>>
      %dma_start3A_53 = tpu.memref_squeeze %dma_start3A_52 : memref<1x80xi32, #tpu.memory_space<vmem>> -> memref<80xi32, #tpu.memory_space<vmem>>
      %dma_start3A_54 = arith.constant 0 : i32
      %dma_start3A_55 = arith.constant 0 : i32
      %dma_start3A_56 = tpu.memref_slice %arg11[%dma_start3A_54, %dma_start3A_55] : memref<10000x128xbf16, #tpu.memory_space<vmem_shared>> -> memref<10000x128xbf16, #tpu.memory_space<vmem_shared>>
      tpu.enqueue_indirect_dma source(%arg9 : memref<80x128xbf16, #tpu.memory_space<vmem>>) target(%dma_start3A_56 : memref<10000x128xbf16, #tpu.memory_space<vmem_shared>>) offsets(%dma_start3A_53 : memref<80xi32, #tpu.memory_space<vmem>>) semaphore(%run_scoped3A_50 : memref<!tpu.dma_semaphore, #tpu.memory_space<semaphore_mem>>) {add = true}
      %dma_wait3A_57 = arith.constant 0 : i32
      %dma_wait3A_58 = tpu.memref_slice %arg7[%run_scoped3A_45, %dma_wait3A_57] : memref<125x80xi32, #tpu.memory_space<vmem>> -> memref<1x80xi32, #tpu.memory_space<vmem>>
      %dma_wait3A_59 = tpu.memref_squeeze %dma_wait3A_58 : memref<1x80xi32, #tpu.memory_space<vmem>> -> memref<80xi32, #tpu.memory_space<vmem>>
      %dma_wait3A_60 = arith.constant 0 : i32
      %dma_wait3A_61 = arith.constant 0 : i32
      %dma_wait3A_62 = tpu.memref_slice %arg11[%dma_wait3A_60, %dma_wait3A_61] : memref<10000x128xbf16, #tpu.memory_space<vmem_shared>> -> memref<10000x128xbf16, #tpu.memory_space<vmem_shared>>
      tpu.wait_indirect_dma semaphore(%run_scoped3A_50 : memref<!tpu.dma_semaphore, #tpu.memory_space<semaphore_mem>>) src(%arg9 : memref<80x128xbf16, #tpu.memory_space<vmem>>) dst(%dma_wait3A_62 : memref<10000x128xbf16, #tpu.memory_space<vmem_shared>>)
      tpu.yield
    }) : () -> ()
    %barrier3A_46 = arith.constant 0 : index
    tpu.barrier barrier_id(%barrier3A_46)
    %mul3A_47 = arith.constant 10000 : i32
    %mul3A_48 = arith.muli %arg0, %mul3A_47 : i32
    %add3A_49 = arith.addi %mul3A_48, %mul3A_2 : i32
    "tpu.region"() ({
      %run_scoped3A_50 = tpu.sem_alloc : memref<!tpu.dma_semaphore, #tpu.memory_space<semaphore_mem>>
      %dma_start3A_51 = arith.constant 0 : i32
      %dma_start3A_52 = tpu.memref_slice %arg5[%add3A_49, %dma_start3A_51] : memref<20000x128xbf16, #tpu.memory_space<hbm>> -> memref<625x128xbf16, #tpu.memory_space<hbm>>
      %dma_start3A_53 = arith.constant 0 : i32
      %dma_start3A_54 = tpu.memref_slice %arg11[%mul3A_2, %dma_start3A_53] : memref<10000x128xbf16, #tpu.memory_space<vmem_shared>> -> memref<625x128xbf16, #tpu.memory_space<vmem_shared>>
      tpu.enqueue_dma source(%dma_start3A_54 : memref<625x128xbf16, #tpu.memory_space<vmem_shared>>) target(%dma_start3A_52 : memref<625x128xbf16, #tpu.memory_space<hbm>>) target_semaphore(%run_scoped3A_50 : memref<!tpu.dma_semaphore, #tpu.memory_space<semaphore_mem>>)
      %dma_wait3A_55 = arith.constant 0 : i32
      %dma_wait3A_56 = tpu.memref_slice %arg5[%add3A_49, %dma_wait3A_55] : memref<20000x128xbf16, #tpu.memory_space<hbm>> -> memref<625x128xbf16, #tpu.memory_space<hbm>>
      %dma_wait3A_57 = arith.constant 0 : i32
      %dma_wait3A_58 = tpu.memref_slice %arg11[%mul3A_2, %dma_wait3A_57] : memref<10000x128xbf16, #tpu.memory_space<vmem_shared>> -> memref<625x128xbf16, #tpu.memory_space<vmem_shared>>
      tpu.wait_dma2 semaphore(%run_scoped3A_50 : memref<!tpu.dma_semaphore, #tpu.memory_space<semaphore_mem>>) src(%dma_wait3A_58 : memref<625x128xbf16, #tpu.memory_space<vmem_shared>>) dst(%dma_wait3A_56 : memref<625x128xbf16, #tpu.memory_space<hbm>>)
      tpu.yield
    }) : () -> ()
    return
  }
}

module attributes {stable_mosaic.version = 14 : i64} {
  func.func @body(%arg0: i32, %arg1: i32, %arg2: memref<2000x128xbf16, #tpu.memory_space<vmem>>, %arg3: memref<2000x128xbf16, #tpu.memory_space<vmem>>, %arg4: memref<128x128xf32, #tpu.memory_space<vmem>>, %arg5: memref<1x128xf32, #tpu.memory_space<vmem>>, %arg6: memref<1x128xf32, #tpu.memory_space<vmem>>, %arg7: memref<128x128xf32, #tpu.memory_space<vmem>>, %arg8: memref<1x128xf32, #tpu.memory_space<vmem>>, %arg9: memref<1x128xf32, #tpu.memory_space<vmem>>, %arg10: memref<1x128xf32, #tpu.memory_space<vmem>>, %arg11: memref<1x128xf32, #tpu.memory_space<vmem>>, %arg12: memref<2000x128xf32, #tpu.memory_space<vmem>>, %arg13: memref<10000x128xf32, #tpu.memory_space<vmem>>, %arg14: memref<8x128xf32, #tpu.memory_space<vmem>>, %arg15: memref<2xf32, #tpu.memory_space<smem>>) attributes {dimension_semantics = [#tpu.dimension_semantics<arbitrary>, #tpu.dimension_semantics<arbitrary>], iteration_bounds = array<i64: 2, 5>, scalar_prefetch = 0 : i64, scratch_operands = 3 : i64, tpu.core_type = #tpu.core_type<tc>, window_params = [{transform_indices = @transform_0, window_bounds = array<i64: 2000, 128>}, {transform_indices = @transform_1, window_bounds = array<i64: 2000, 128>}, {pipeline_mode = #tpu.pipeline_mode<synchronous>, transform_indices = @transform_2, window_bounds = array<i64: 128, 128>}, {pipeline_mode = #tpu.pipeline_mode<synchronous>, transform_indices = @transform_3, window_bounds = array<i64: 1, 128>}, {pipeline_mode = #tpu.pipeline_mode<synchronous>, transform_indices = @transform_4, window_bounds = array<i64: 1, 128>}, {pipeline_mode = #tpu.pipeline_mode<synchronous>, transform_indices = @transform_5, window_bounds = array<i64: 128, 128>}, {pipeline_mode = #tpu.pipeline_mode<synchronous>, transform_indices = @transform_6, window_bounds = array<i64: 1, 128>}, {pipeline_mode = #tpu.pipeline_mode<synchronous>, transform_indices = @transform_7, window_bounds = array<i64: 1, 128>}, {pipeline_mode = #tpu.pipeline_mode<synchronous>, transform_indices = @transform_8, window_bounds = array<i64: 1, 128>}, {pipeline_mode = #tpu.pipeline_mode<synchronous>, transform_indices = @transform_9, window_bounds = array<i64: 1, 128>}, {transform_indices = @transform_10, window_bounds = array<i64: 2000, 128>}]} {
    %eq3A = arith.constant 0 : i32
    %eq3A_0 = arith.cmpi eq, %arg0, %eq3A : i32
    %eq3A_1 = arith.constant 0 : i32
    %eq3A_2 = arith.cmpi eq, %arg1, %eq3A_1 : i32
    %and3A = arith.andi %eq3A_0, %eq3A_2 : i1
    %convert_element_type3A = arith.extui %and3A : i1 to i32
    %cond3A = arith.constant 0 : i32
    %cond3A_3 = arith.cmpi ne, %convert_element_type3A, %cond3A : i32
    scf.if %cond3A_3 {
      %get3A = arith.constant 0 : index
      %get3A_14 = arith.constant 0 : index
      %get3A_15 = vector.load %arg6[%get3A, %get3A_14] : memref<1x128xf32, #tpu.memory_space<vmem>>, vector<1x128xf32>
      %get3A_16 = arith.constant 0 : index
      %get3A_17 = arith.constant 0 : index
      %get3A_18 = vector.load %arg4[%get3A_16, %get3A_17] : memref<128x128xf32, #tpu.memory_space<vmem>>, vector<128x128xf32>
      %dot_general3A = arith.constant dense<0.000000e+00> : vector<1x128xf32>
      %dot_general3A_19 = tpu.matmul %get3A_15, %get3A_18, %dot_general3A {dimension_numbers = #tpu.dot_dimension_numbers<[1], [0], [0], [1], [0, 0, 1, 1], [], []>, transpose_lhs_hint = false} : vector<1x128xf32>, vector<128x128xf32>, vector<1x128xf32> -> vector<1x128xf32>
      %mul3A = arith.mulf %dot_general3A_19, %dot_general3A_19 : vector<1x128xf32>
      %reduce_sum3A = vector.shape_cast %mul3A : vector<1x128xf32> to vector<1x1x128xf32>
      %reduce_sum3A_20 = arith.constant dense<0.000000e+00> : vector<1xf32>
      %reduce_sum3A_21 = vector.multi_reduction <add>, %reduce_sum3A, %reduce_sum3A_20 [1, 2] : vector<1x1x128xf32> to vector<1xf32>
      %reduce_sum3A_22 = vector.shape_cast %reduce_sum3A_21 : vector<1xf32> to vector<1x1x1xf32>
      %reduce_sum3A_23 = vector.extract %reduce_sum3A_22[0, 0, 0] : f32 from vector<1x1x1xf32>
      %sqrt3A = math.sqrt %reduce_sum3A_23 : f32
      %add3A = arith.constant 9.99999996E-13 : f32
      %add3A_24 = arith.addf %sqrt3A, %add3A : f32
      %div3A = vector.broadcast %add3A_24 : f32 to vector<1x128xf32>
      %div3A_25 = arith.divf %dot_general3A_19, %div3A : vector<1x128xf32>
      %dot_general3A_26 = arith.constant dense<0.000000e+00> : vector<1x128xf32>
      %dot_general3A_27 = tpu.matmul %div3A_25, %get3A_18, %dot_general3A_26 {dimension_numbers = #tpu.dot_dimension_numbers<[1], [1], [0], [0], [0, 0, 1, 0], [], []>, transpose_lhs_hint = false} : vector<1x128xf32>, vector<128x128xf32>, vector<1x128xf32> -> vector<1x128xf32>
      %mul3A_28 = arith.mulf %dot_general3A_27, %dot_general3A_27 : vector<1x128xf32>
      %reduce_sum3A_29 = vector.shape_cast %mul3A_28 : vector<1x128xf32> to vector<1x1x128xf32>
      %reduce_sum3A_30 = arith.constant dense<0.000000e+00> : vector<1xf32>
      %reduce_sum3A_31 = vector.multi_reduction <add>, %reduce_sum3A_29, %reduce_sum3A_30 [1, 2] : vector<1x1x128xf32> to vector<1xf32>
      %reduce_sum3A_32 = vector.shape_cast %reduce_sum3A_31 : vector<1xf32> to vector<1x1x1xf32>
      %reduce_sum3A_33 = vector.extract %reduce_sum3A_32[0, 0, 0] : f32 from vector<1x1x1xf32>
      %sqrt3A_34 = math.sqrt %reduce_sum3A_33 : f32
      %add3A_35 = arith.constant 9.99999996E-13 : f32
      %add3A_36 = arith.addf %sqrt3A_34, %add3A_35 : f32
      %div3A_37 = vector.broadcast %add3A_36 : f32 to vector<1x128xf32>
      %div3A_38 = arith.divf %dot_general3A_27, %div3A_37 : vector<1x128xf32>
      %mul3A_39 = arith.mulf %div3A_38, %dot_general3A_27 : vector<1x128xf32>
      %reduce_sum3A_40 = vector.shape_cast %mul3A_39 : vector<1x128xf32> to vector<1x1x128xf32>
      %reduce_sum3A_41 = arith.constant dense<0.000000e+00> : vector<1xf32>
      %reduce_sum3A_42 = vector.multi_reduction <add>, %reduce_sum3A_40, %reduce_sum3A_41 [1, 2] : vector<1x1x128xf32> to vector<1xf32>
      %reduce_sum3A_43 = vector.shape_cast %reduce_sum3A_42 : vector<1xf32> to vector<1x1x1xf32>
      %reduce_sum3A_44 = vector.extract %reduce_sum3A_43[0, 0, 0] : f32 from vector<1x1x1xf32>
      %swap3A = arith.constant 0 : index
      %swap3A_45 = memref.load %arg15[%swap3A] : memref<2xf32, #tpu.memory_space<smem>>
      memref.store %reduce_sum3A_44, %arg15[%swap3A] : memref<2xf32, #tpu.memory_space<smem>>
      %get3A_46 = arith.constant 0 : index
      %get3A_47 = arith.constant 0 : index
      %get3A_48 = vector.load %arg9[%get3A_46, %get3A_47] : memref<1x128xf32, #tpu.memory_space<vmem>>, vector<1x128xf32>
      %get3A_49 = arith.constant 0 : index
      %get3A_50 = arith.constant 0 : index
      %get3A_51 = vector.load %arg7[%get3A_49, %get3A_50] : memref<128x128xf32, #tpu.memory_space<vmem>>, vector<128x128xf32>
      %dot_general3A_52 = arith.constant dense<0.000000e+00> : vector<1x128xf32>
      %dot_general3A_53 = tpu.matmul %get3A_48, %get3A_51, %dot_general3A_52 {dimension_numbers = #tpu.dot_dimension_numbers<[1], [0], [0], [1], [0, 0, 1, 1], [], []>, transpose_lhs_hint = false} : vector<1x128xf32>, vector<128x128xf32>, vector<1x128xf32> -> vector<1x128xf32>
      %mul3A_54 = arith.mulf %dot_general3A_53, %dot_general3A_53 : vector<1x128xf32>
      %reduce_sum3A_55 = vector.shape_cast %mul3A_54 : vector<1x128xf32> to vector<1x1x128xf32>
      %reduce_sum3A_56 = arith.constant dense<0.000000e+00> : vector<1xf32>
      %reduce_sum3A_57 = vector.multi_reduction <add>, %reduce_sum3A_55, %reduce_sum3A_56 [1, 2] : vector<1x1x128xf32> to vector<1xf32>
      %reduce_sum3A_58 = vector.shape_cast %reduce_sum3A_57 : vector<1xf32> to vector<1x1x1xf32>
      %reduce_sum3A_59 = vector.extract %reduce_sum3A_58[0, 0, 0] : f32 from vector<1x1x1xf32>
      %sqrt3A_60 = math.sqrt %reduce_sum3A_59 : f32
      %add3A_61 = arith.constant 9.99999996E-13 : f32
      %add3A_62 = arith.addf %sqrt3A_60, %add3A_61 : f32
      %div3A_63 = vector.broadcast %add3A_62 : f32 to vector<1x128xf32>
      %div3A_64 = arith.divf %dot_general3A_53, %div3A_63 : vector<1x128xf32>
      %dot_general3A_65 = arith.constant dense<0.000000e+00> : vector<1x128xf32>
      %dot_general3A_66 = tpu.matmul %div3A_64, %get3A_51, %dot_general3A_65 {dimension_numbers = #tpu.dot_dimension_numbers<[1], [1], [0], [0], [0, 0, 1, 0], [], []>, transpose_lhs_hint = false} : vector<1x128xf32>, vector<128x128xf32>, vector<1x128xf32> -> vector<1x128xf32>
      %mul3A_67 = arith.mulf %dot_general3A_66, %dot_general3A_66 : vector<1x128xf32>
      %reduce_sum3A_68 = vector.shape_cast %mul3A_67 : vector<1x128xf32> to vector<1x1x128xf32>
      %reduce_sum3A_69 = arith.constant dense<0.000000e+00> : vector<1xf32>
      %reduce_sum3A_70 = vector.multi_reduction <add>, %reduce_sum3A_68, %reduce_sum3A_69 [1, 2] : vector<1x1x128xf32> to vector<1xf32>
      %reduce_sum3A_71 = vector.shape_cast %reduce_sum3A_70 : vector<1xf32> to vector<1x1x1xf32>
      %reduce_sum3A_72 = vector.extract %reduce_sum3A_71[0, 0, 0] : f32 from vector<1x1x1xf32>
      %sqrt3A_73 = math.sqrt %reduce_sum3A_72 : f32
      %add3A_74 = arith.constant 9.99999996E-13 : f32
      %add3A_75 = arith.addf %sqrt3A_73, %add3A_74 : f32
      %div3A_76 = vector.broadcast %add3A_75 : f32 to vector<1x128xf32>
      %div3A_77 = arith.divf %dot_general3A_66, %div3A_76 : vector<1x128xf32>
      %mul3A_78 = arith.mulf %div3A_77, %dot_general3A_66 : vector<1x128xf32>
      %reduce_sum3A_79 = vector.shape_cast %mul3A_78 : vector<1x128xf32> to vector<1x1x128xf32>
      %reduce_sum3A_80 = arith.constant dense<0.000000e+00> : vector<1xf32>
      %reduce_sum3A_81 = vector.multi_reduction <add>, %reduce_sum3A_79, %reduce_sum3A_80 [1, 2] : vector<1x1x128xf32> to vector<1xf32>
      %reduce_sum3A_82 = vector.shape_cast %reduce_sum3A_81 : vector<1xf32> to vector<1x1x1xf32>
      %reduce_sum3A_83 = vector.extract %reduce_sum3A_82[0, 0, 0] : f32 from vector<1x1x1xf32>
      %swap3A_84 = arith.constant 1 : index
      %swap3A_85 = memref.load %arg15[%swap3A_84] : memref<2xf32, #tpu.memory_space<smem>>
      memref.store %reduce_sum3A_83, %arg15[%swap3A_84] : memref<2xf32, #tpu.memory_space<smem>>
      %broadcast_in_dim3A = arith.constant 0.000000e+00 : f32
      %broadcast_in_dim3A_86 = vector.broadcast %broadcast_in_dim3A : f32 to vector<8x128xf32>
      %swap3A_87 = arith.constant 0 : index
      %swap3A_88 = arith.constant 0 : index
      %swap3A_89 = vector.load %arg14[%swap3A_87, %swap3A_88] : memref<8x128xf32, #tpu.memory_space<vmem>>, vector<8x128xf32>
      tpu.vector_store %arg14[%swap3A_87, %swap3A_88], %broadcast_in_dim3A_86 {strides = array<i32>} : memref<8x128xf32, #tpu.memory_space<vmem>>, vector<8x128xf32>,
    } else {
    }
    %eq3A_4 = arith.constant 0 : i32
    %eq3A_5 = arith.cmpi eq, %arg0, %eq3A_4 : i32
    %convert_element_type3A_6 = arith.extui %eq3A_5 : i1 to i32
    %cond3A_7 = arith.constant 0 : i32
    %cond3A_8 = arith.cmpi ne, %convert_element_type3A_6, %cond3A_7 : i32
    scf.if %cond3A_8 {
      %get3A = arith.constant 0 : index
      %get3A_14 = memref.load %arg15[%get3A] : memref<2xf32, #tpu.memory_space<smem>>
      %get3A_15 = arith.constant 0 : index
      %get3A_16 = arith.constant 0 : index
      %get3A_17 = vector.load %arg2[%get3A_15, %get3A_16] : memref<2000x128xbf16, #tpu.memory_space<vmem>>, vector<2000x128xbf16>
      %convert_element_type3A_18 = arith.extf %get3A_17 : vector<2000x128xbf16> to vector<2000x128xf32>
      %get3A_19 = arith.constant 0 : index
      %get3A_20 = arith.constant 0 : index
      %get3A_21 = vector.load %arg3[%get3A_19, %get3A_20] : memref<2000x128xbf16, #tpu.memory_space<vmem>>, vector<2000x128xbf16>
      %convert_element_type3A_22 = arith.extf %get3A_21 : vector<2000x128xbf16> to vector<2000x128xf32>
      %add3A = arith.addf %convert_element_type3A_18, %convert_element_type3A_22 : vector<2000x128xf32>
      %get3A_23 = arith.constant 0 : index
      %get3A_24 = arith.constant 0 : index
      %get3A_25 = vector.load %arg4[%get3A_23, %get3A_24] : memref<128x128xf32, #tpu.memory_space<vmem>>, vector<128x128xf32>
      %dot_general3A = arith.constant dense<0.000000e+00> : vector<2000x128xf32>
      %dot_general3A_26 = tpu.matmul %add3A, %get3A_25, %dot_general3A {dimension_numbers = #tpu.dot_dimension_numbers<[1], [1], [0], [0], [0, 0, 1, 0], [], []>, transpose_lhs_hint = false} : vector<2000x128xf32>, vector<128x128xf32>, vector<2000x128xf32> -> vector<2000x128xf32>
      %get3A_27 = arith.constant 0 : index
      %get3A_28 = arith.constant 0 : index
      %get3A_29 = vector.load %arg5[%get3A_27, %get3A_28] : memref<1x128xf32, #tpu.memory_space<vmem>>, vector<1x128xf32>
      %mul3A = vector.broadcast %get3A_14 : f32 to vector<1x128xf32>
      %mul3A_30 = arith.mulf %mul3A, %get3A_29 : vector<1x128xf32>
      %add3A_31 = vector.broadcast %mul3A_30 : vector<1x128xf32> to vector<2000x128xf32>
      %add3A_32 = arith.addf %dot_general3A_26, %add3A_31 : vector<2000x128xf32>
      %max3A = arith.constant 0.000000e+00 : f32
      %max3A_33 = vector.broadcast %max3A : f32 to vector<2000x128xf32>
      %max3A_34 = arith.maximumf %add3A_32, %max3A_33 : vector<2000x128xf32>
      %mul3A_35 = arith.constant 2000 : i32
      %mul3A_36 = arith.muli %arg1, %mul3A_35 : i32
      %swap3A = arith.index_cast %mul3A_36 : i32 to index
      %swap3A_37 = arith.constant 0 : index
      %swap3A_38 = vector.load %arg13[%swap3A, %swap3A_37] : memref<10000x128xf32, #tpu.memory_space<vmem>>, vector<2000x128xf32>
      tpu.vector_store %arg13[%swap3A, %swap3A_37], %max3A_34 {strides = array<i32>} : memref<10000x128xf32, #tpu.memory_space<vmem>>, vector<2000x128xf32>,
      %get3A_39 = arith.constant 0 : index
      %get3A_40 = arith.constant 0 : index
      %get3A_41 = vector.load %arg14[%get3A_39, %get3A_40] : memref<8x128xf32, #tpu.memory_space<vmem>>, vector<1x128xf32>
      %reduce_sum3A = arith.constant dense<0.000000e+00> : vector<128xf32>
      %reduce_sum3A_42 = vector.multi_reduction <add>, %max3A_34, %reduce_sum3A [0] : vector<2000x128xf32> to vector<128xf32>
      %broadcast_in_dim3A = vector.shape_cast %reduce_sum3A_42 : vector<128xf32> to vector<1x128xf32>
      %add3A_43 = arith.addf %get3A_41, %broadcast_in_dim3A : vector<1x128xf32>
      %swap3A_44 = arith.constant 0 : index
      %swap3A_45 = arith.constant 0 : index
      %swap3A_46 = vector.load %arg14[%swap3A_44, %swap3A_45] : memref<8x128xf32, #tpu.memory_space<vmem>>, vector<1x128xf32>
      tpu.vector_store %arg14[%swap3A_44, %swap3A_45], %add3A_43 {strides = array<i32>} : memref<8x128xf32, #tpu.memory_space<vmem>>, vector<1x128xf32>,
      %get3A_47 = arith.constant 1 : index
      %get3A_48 = arith.constant 0 : index
      %get3A_49 = vector.load %arg14[%get3A_47, %get3A_48] : memref<8x128xf32, #tpu.memory_space<vmem>>, vector<1x128xf32>
      %mul3A_50 = arith.mulf %max3A_34, %max3A_34 : vector<2000x128xf32>
      %reduce_sum3A_51 = arith.constant dense<0.000000e+00> : vector<128xf32>
      %reduce_sum3A_52 = vector.multi_reduction <add>, %mul3A_50, %reduce_sum3A_51 [0] : vector<2000x128xf32> to vector<128xf32>
      %broadcast_in_dim3A_53 = vector.shape_cast %reduce_sum3A_52 : vector<128xf32> to vector<1x128xf32>
      %add3A_54 = arith.addf %get3A_49, %broadcast_in_dim3A_53 : vector<1x128xf32>
      %swap3A_55 = arith.constant 1 : index
      %swap3A_56 = arith.constant 0 : index
      %swap3A_57 = vector.load %arg14[%swap3A_55, %swap3A_56] : memref<8x128xf32, #tpu.memory_space<vmem>>, vector<1x128xf32>
      tpu.vector_store %arg14[%swap3A_55, %swap3A_56], %add3A_54 {strides = array<i32>} : memref<8x128xf32, #tpu.memory_space<vmem>>, vector<1x128xf32>,
    } else {
    }
    %eq3A_9 = arith.constant 1 : i32
    %eq3A_10 = arith.cmpi eq, %arg0, %eq3A_9 : i32
    %convert_element_type3A_11 = arith.extui %eq3A_10 : i1 to i32
    %cond3A_12 = arith.constant 0 : i32
    %cond3A_13 = arith.cmpi ne, %convert_element_type3A_11, %cond3A_12 : i32
    scf.if %cond3A_13 {
      %get3A = arith.constant 0 : index
      %get3A_14 = memref.load %arg15[%get3A] : memref<2xf32, #tpu.memory_space<smem>>
      %get3A_15 = arith.constant 1 : index
      %get3A_16 = memref.load %arg15[%get3A_15] : memref<2xf32, #tpu.memory_space<smem>>
      %get3A_17 = arith.constant 0 : index
      %get3A_18 = arith.constant 0 : index
      %get3A_19 = vector.load %arg14[%get3A_17, %get3A_18] : memref<8x128xf32, #tpu.memory_space<vmem>>, vector<1x128xf32>
      %mul3A = arith.constant 9.99999974E-5 : f32
      %mul3A_20 = vector.broadcast %mul3A : f32 to vector<1x128xf32>
      %mul3A_21 = arith.mulf %get3A_19, %mul3A_20 : vector<1x128xf32>
      %get3A_22 = arith.constant 1 : index
      %get3A_23 = arith.constant 0 : index
      %get3A_24 = vector.load %arg14[%get3A_22, %get3A_23] : memref<8x128xf32, #tpu.memory_space<vmem>>, vector<1x128xf32>
      %mul3A_25 = arith.constant 9.99999974E-5 : f32
      %mul3A_26 = vector.broadcast %mul3A_25 : f32 to vector<1x128xf32>
      %mul3A_27 = arith.mulf %get3A_24, %mul3A_26 : vector<1x128xf32>
      %mul3A_28 = arith.mulf %mul3A_21, %mul3A_21 : vector<1x128xf32>
      %sub3A = arith.subf %mul3A_27, %mul3A_28 : vector<1x128xf32>
      %mul3A_29 = arith.constant 9.99999974E-6 : f32
      %mul3A_30 = arith.mulf %mul3A_29, %get3A_14 : f32
      %mul3A_31 = arith.mulf %mul3A_30, %get3A_14 : f32
      %add3A = vector.broadcast %mul3A_31 : f32 to vector<1x128xf32>
      %add3A_32 = arith.addf %sub3A, %add3A : vector<1x128xf32>
      %rsqrt3A = math.rsqrt %add3A_32 : vector<1x128xf32>
      %get3A_33 = arith.constant 0 : index
      %get3A_34 = arith.constant 0 : index
      %get3A_35 = vector.load %arg10[%get3A_33, %get3A_34] : memref<1x128xf32, #tpu.memory_space<vmem>>, vector<1x128xf32>
      %mul3A_36 = arith.mulf %get3A_35, %rsqrt3A : vector<1x128xf32>
      %get3A_37 = arith.constant 0 : index
      %get3A_38 = arith.constant 0 : index
      %get3A_39 = vector.load %arg11[%get3A_37, %get3A_38] : memref<1x128xf32, #tpu.memory_space<vmem>>, vector<1x128xf32>
      %mul3A_40 = arith.mulf %mul3A_21, %mul3A_36 : vector<1x128xf32>
      %sub3A_41 = arith.subf %get3A_39, %mul3A_40 : vector<1x128xf32>
      %mul3A_42 = arith.constant 2000 : i32
      %mul3A_43 = arith.muli %arg1, %mul3A_42 : i32
      %get3A_44 = arith.index_cast %mul3A_43 : i32 to index
      %get3A_45 = arith.constant 0 : index
      %get3A_46 = vector.load %arg13[%get3A_44, %get3A_45] : memref<10000x128xf32, #tpu.memory_space<vmem>>, vector<2000x128xf32>
      %mul3A_47 = vector.broadcast %mul3A_36 : vector<1x128xf32> to vector<2000x128xf32>
      %mul3A_48 = arith.mulf %get3A_46, %mul3A_47 : vector<2000x128xf32>
      %add3A_49 = vector.broadcast %sub3A_41 : vector<1x128xf32> to vector<2000x128xf32>
      %add3A_50 = arith.addf %mul3A_48, %add3A_49 : vector<2000x128xf32>
      %get3A_51 = arith.constant 0 : index
      %get3A_52 = arith.constant 0 : index
      %get3A_53 = vector.load %arg7[%get3A_51, %get3A_52] : memref<128x128xf32, #tpu.memory_space<vmem>>, vector<128x128xf32>
      %dot_general3A = arith.constant dense<0.000000e+00> : vector<2000x128xf32>
      %dot_general3A_54 = tpu.matmul %add3A_50, %get3A_53, %dot_general3A {dimension_numbers = #tpu.dot_dimension_numbers<[1], [1], [0], [0], [0, 0, 1, 0], [], []>, transpose_lhs_hint = false} : vector<2000x128xf32>, vector<128x128xf32>, vector<2000x128xf32> -> vector<2000x128xf32>
      %div3A = arith.constant 1.000000e+00 : f32
      %div3A_55 = arith.divf %div3A, %get3A_16 : f32
      %mul3A_56 = vector.broadcast %div3A_55 : f32 to vector<2000x128xf32>
      %mul3A_57 = arith.mulf %dot_general3A_54, %mul3A_56 : vector<2000x128xf32>
      %get3A_58 = arith.constant 0 : index
      %get3A_59 = arith.constant 0 : index
      %get3A_60 = vector.load %arg8[%get3A_58, %get3A_59] : memref<1x128xf32, #tpu.memory_space<vmem>>, vector<1x128xf32>
      %add3A_61 = vector.broadcast %get3A_60 : vector<1x128xf32> to vector<2000x128xf32>
      %add3A_62 = arith.addf %mul3A_57, %add3A_61 : vector<2000x128xf32>
      %swap3A = arith.constant 0 : index
      %swap3A_63 = arith.constant 0 : index
      %swap3A_64 = vector.load %arg12[%swap3A, %swap3A_63] : memref<2000x128xf32, #tpu.memory_space<vmem>>, vector<2000x128xf32>
      tpu.vector_store %arg12[%swap3A, %swap3A_63], %add3A_62 {strides = array<i32>} : memref<2000x128xf32, #tpu.memory_space<vmem>>, vector<2000x128xf32>,
    } else {
    }
    return
  }
  func.func @transform_0(%arg0: i32, %arg1: i32) -> (i32, i32) {
    %sub3A = arith.constant 1 : i32
    %sub3A_0 = arith.subi %sub3A, %arg0 : i32
    %mul3A = arith.muli %sub3A_0, %arg1 : i32
    %c0_i32 = arith.constant 0 : i32
    %c0_i32_1 = arith.constant 0 : i32
    return %mul3A, %c0_i32 : i32, i32
  }
  func.func @transform_1(%arg0: i32, %arg1: i32) -> (i32, i32) {
    %sub3A = arith.constant 1 : i32
    %sub3A_0 = arith.subi %sub3A, %arg0 : i32
    %mul3A = arith.muli %sub3A_0, %arg1 : i32
    %add3A = arith.constant 5 : i32
    %add3A_1 = arith.addi %mul3A, %add3A : i32
    %c0_i32 = arith.constant 0 : i32
    %c0_i32_2 = arith.constant 0 : i32
    return %add3A_1, %c0_i32 : i32, i32
  }
  func.func @transform_2(%arg0: i32, %arg1: i32) -> (i32, i32) {
    %c0_i32 = arith.constant 0 : i32
    %c0_i32_0 = arith.constant 0 : i32
    %c0_i32_1 = arith.constant 0 : i32
    return %c0_i32, %c0_i32_0 : i32, i32
  }
  func.func @transform_3(%arg0: i32, %arg1: i32) -> (i32, i32) {
    %c0_i32 = arith.constant 0 : i32
    %c0_i32_0 = arith.constant 0 : i32
    %c0_i32_1 = arith.constant 0 : i32
    return %c0_i32, %c0_i32_0 : i32, i32
  }
  func.func @transform_4(%arg0: i32, %arg1: i32) -> (i32, i32) {
    %c0_i32 = arith.constant 0 : i32
    %c0_i32_0 = arith.constant 0 : i32
    %c0_i32_1 = arith.constant 0 : i32
    return %c0_i32, %c0_i32_0 : i32, i32
  }
  func.func @transform_5(%arg0: i32, %arg1: i32) -> (i32, i32) {
    %c0_i32 = arith.constant 0 : i32
    %c0_i32_0 = arith.constant 0 : i32
    %c0_i32_1 = arith.constant 0 : i32
    return %c0_i32, %c0_i32_0 : i32, i32
  }
  func.func @transform_6(%arg0: i32, %arg1: i32) -> (i32, i32) {
    %c0_i32 = arith.constant 0 : i32
    %c0_i32_0 = arith.constant 0 : i32
    %c0_i32_1 = arith.constant 0 : i32
    return %c0_i32, %c0_i32_0 : i32, i32
  }
  func.func @transform_7(%arg0: i32, %arg1: i32) -> (i32, i32) {
    %c0_i32 = arith.constant 0 : i32
    %c0_i32_0 = arith.constant 0 : i32
    %c0_i32_1 = arith.constant 0 : i32
    return %c0_i32, %c0_i32_0 : i32, i32
  }
  func.func @transform_8(%arg0: i32, %arg1: i32) -> (i32, i32) {
    %c0_i32 = arith.constant 0 : i32
    %c0_i32_0 = arith.constant 0 : i32
    %c0_i32_1 = arith.constant 0 : i32
    return %c0_i32, %c0_i32_0 : i32, i32
  }
  func.func @transform_9(%arg0: i32, %arg1: i32) -> (i32, i32) {
    %c0_i32 = arith.constant 0 : i32
    %c0_i32_0 = arith.constant 0 : i32
    %c0_i32_1 = arith.constant 0 : i32
    return %c0_i32, %c0_i32_0 : i32, i32
  }
  func.func @transform_10(%arg0: i32, %arg1: i32) -> (i32, i32) {
    %c0_i32 = arith.constant 0 : i32
    %c0_i32_0 = arith.constant 0 : i32
    return %arg1, %c0_i32 : i32, i32
  }
}

</mosaic_0001>

<sc_bundles>
// kernel: kernel.4.cloned.1.call-start
scs
__scs_entry_jumppad:
0x0: {  	(pc) =	sbr.rel $0x88, $3  }
0x1: {  	(tag) =	ssettag $0x0;
	lr =	simm.s32 $0x1  }
0x2: {  	[smem:$0x3F97] =	sst lr;
	_ =	strace $0xD0000000  }
0x3: {  	_ = 	snop  }
0x4: {  	_ = 	snop  }
0x5: {  	_ = 	snop  }
0x6: {  	_ = 	snop  }
0x7: {  	_ = 	snop  }
__scs_overlays_trampoline_lowered:
0x8: {  	[smem:$0x3FA6] =	sst s0  }
0x9: {  	[smem:$0x3FA7] =	sst s1  }
0xa: {  	[smem:$0x3FA8] =	sst s2  }
0xb: {  	[smem:$0x3FA9] =	sst s3  }
0xc: {  	[smem:$0x3FAA] =	sst s4  }
0xd: {  	[smem:$0x3FAB] =	sst s5  }
0xe: {  	[smem:$0x3FAC] =	sst s6  }
0xf: {  	[smem:$0x3FAD] =	sst s7  }
0x10: {  	[smem:$0x3FAE] =	sst s8  }
0x11: {  	[smem:$0x3FAF] =	sst s9;
	s0 =	simm.s32 @!p0 $0x0  }
0x12: {  	s1 =	sld [smem:$0x3F95];
	s0 =	simm.s32 @p0 $0x1  }
0x13: {  	[smem:$0x3FB0] =	sst s0;
	s0 =	simm.s32 @!p1 $0x0  }
0x14: {  	s2 =	sld [smem:$0x3F94];
	s0 =	simm.s32 @p1 $0x1  }
0x15: {  	[smem:$0x3FB1] =	sst s0;
	s0 =	simm.s32 @!p2 $0x0  }
0x16: {  	s3 =	sld [smem:$0x3FDB];
	s0 =	simm.s32 @p2 $0x1  }
0x17: {  	s4 =	simm.s32 $0x1BF5;
	[smem:$0x3FB3] =	sst s0  }
0x18: {  	s0 =	sld [smem:$0x3F96];
	_ =	swait.ge [sflag:s4], $0x0  }
0x19: {  	s7 =	sld [smem:$0x3F97]  }
0x1a: {  	s8 =	sadd.s32 $0xFFFFE003, lr  }
0x1b: {  	s9 =	sadd.s32 $0xFFFFFEF7, lr;
	s5 =	simm.s32 $0xFFFFFFFF;
	p2 =	slt.u32 s8, $0xFFFFF086  }
0x1c: {  	p1 =	slt.u32 s9, $0xF7A;
	s5 =	simm.s32 @!p2 $0x0  }
0x1d: {  	s5 =	simm.s32 @p1 $0x1;
	p0 =	seq.s32 s7, s2  }
0x1e: {  	s7 =	smul.u32 @!p0 $0xF7A, s2;
	p2 =	seq.s32 @!p0 s5, $0x0  }
0x1f: {  	s9 =	smul.u32 $0xF7A, s1;
	s8 =	simm.s32 @!p0 $0x1BF5;
	p2 =	por !p2, p0  }
0x20: {  	[sflag:s8] =	ssyncset.s32 @!p0 $0xFFFFF086;
	s6 =	sadd.s32 @!p0 s3, s7;
	s7 =	simm.s32 @!p0 $0x108  }
0x21: {  	s3 =	sadd.s32 s3, s9;
	s6 =	sadd.s32 @!p0 $0x88, s6;
	s7 =	simm.s32 @p2 $0x1082  }
0x22: {  	[simem:s7], [sflag:s8] =	dma.local @!p0 [hbm:s6], $0xF7A  }
0x23: {  	s9 =	sor.u32 $0xD0000000, s2;
	s6 =	simm.s32 $0x108;
	_ =	swait.ge @!p0 [sflag:s8], $0x0  }
0x24: {  	s3 =	sadd.s32 $0x88, s3;
	s6 =	simm.s32 @!p1 $0x1082;
	[sflag:s4] =	ssyncset.s32 $0xFFFFF086  }
0x25: {  	[simem:s6], [sflag:s4] =	dma.local [hbm:s3], $0xF7A  }
0x26: {  	[smem:$0x3F97] =	sst s1;
	(tag) =	ssettag s2;
	_ =	strace s9  }
0x27: {  	s1 =	sld [smem:$0x3FA7]  }
0x28: {  	s2 =	sld [smem:$0x3FA8]  }
0x29: {  	s4 =	sld [smem:$0x3FAA]  }
0x2a: {  	p0 =	seq.s32 s5, $0x0;
	s5 =	sld [smem:$0x3FAB]  }
0x2b: {  	s6 =	sld [smem:$0x3FAC]  }
0x2c: {  	s7 =	sld [smem:$0x3FAD]  }
0x2d: {  	s3 =	simm.s32 $0x108;
	s8 =	sld [smem:$0x3FAE]  }
0x2e: {  	s3 =	simm.s32 @!p0 $0x1082;
	s9 =	sld [smem:$0x3FAF]  }
0x2f: {  	lr =	sadd.s32 s0, s3;
	s0 =	sld [smem:$0x3FA6]  }
0x30: {  	s3 =	sld [smem:$0x3FA9]  }
0x31: {  	[smem:$0x3FB2] =	sst s10  }
0x32: {  	s10 =	sld [smem:$0x3FB0];
	_ =	sdelay $0x3  }
0x33: {  	p0 =	seq.s32 s10, $0x1;
	s10 =	sld [smem:$0x3FB2];
	_ =	sdelay $0x3  }
0x34: {  	[smem:$0x3FB2] =	sst s10  }
0x35: {  	s10 =	sld [smem:$0x3FB1];
	_ =	sdelay $0x3  }
0x36: {  	p1 =	seq.s32 s10, $0x1;
	s10 =	sld [smem:$0x3FB2];
	_ =	sdelay $0x3  }
0x37: {  	[smem:$0x3FB2] =	sst s10  }
0x38: {  	s10 =	sld [smem:$0x3FB3]  }
0x39: {  	_ = 	snop;
	(pc) =	sbr.ind lr, $3  }
0x3a: {  	_ = 	snop  }
0x3b: {  	_ = 	snop  }
0x3c: {  	p2 =	seq.s32 s10, $0x1;
	s10 =	sld [smem:$0x3FB2]  }
0x3d: {  	_ =	shalt  }
0x3e: {  	_ =	shalt  }
0x3f: {  	_ =	shalt  }
0x40: {  	_ =	shalt  }
0x41: {  	_ =	shalt  }
0x42: {  	_ =	shalt  }
0x43: {  	_ =	shalt  }
0x44: {  	_ =	shalt  }
0x45: {  	_ =	shalt  }
0x46: {  	_ =	shalt  }
0x47: {  	_ =	shalt  }
0x48: {  	_ =	shalt  }
0x49: {  	_ =	shalt  }
0x4a: {  	_ =	shalt  }
0x4b: {  	_ =	shalt  }
0x4c: {  	_ =	shalt  }
0x4d: {  	_ =	shalt  }
0x4e: {  	_ =	shalt  }
0x4f: {  	_ =	shalt  }
0x50: {  	_ =	shalt  }
0x51: {  	_ =	shalt  }
0x52: {  	_ =	shalt  }
0x53: {  	_ =	shalt  }
0x54: {  	_ =	shalt  }
0x55: {  	_ =	shalt  }
0x56: {  	_ =	shalt  }
0x57: {  	_ =	shalt  }
0x58: {  	_ =	shalt  }
0x59: {  	_ =	shalt  }
0x5a: {  	_ =	shalt  }
0x5b: {  	_ =	shalt  }
0x5c: {  	_ =	shalt  }
0x5d: {  	_ =	shalt  }
0x5e: {  	_ =	shalt  }
0x5f: {  	_ =	shalt  }
0x60: {  	_ =	shalt  }
0x61: {  	_ =	shalt  }
0x62: {  	_ =	shalt  }
0x63: {  	_ =	shalt  }
0x64: {  	_ =	shalt  }
0x65: {  	_ =	shalt  }
0x66: {  	_ =	shalt  }
0x67: {  	_ =	shalt  }
0x68: {  	_ =	shalt  }
0x69: {  	_ =	shalt  }
0x6a: {  	_ =	shalt  }
0x6b: {  	_ =	shalt  }
0x6c: {  	_ =	shalt  }
0x6d: {  	_ =	shalt  }
0x6e: {  	_ =	shalt  }
0x6f: {  	_ =	shalt  }
0x70: {  	_ =	shalt  }
0x71: {  	_ =	shalt  }
0x72: {  	_ =	shalt  }
0x73: {  	_ =	shalt  }
0x74: {  	_ =	shalt  }
0x75: {  	_ =	shalt  }
0x76: {  	_ =	shalt  }
0x77: {  	_ =	shalt  }
0x78: {  	_ =	shalt  }
0x79: {  	_ =	shalt  }
0x7a: {  	_ =	shalt  }
0x7b: {  	_ =	shalt  }
0x7c: {  	_ =	shalt  }
0x7d: {  	_ =	shalt  }
0x7e: {  	_ =	shalt  }
0x7f: {  	_ =	shalt  }
0x80: {  	_ =	shalt  }
0x81: {  	_ =	shalt  }
0x82: {  	_ =	shalt  }
0x83: {  	_ =	shalt  }
0x84: {  	_ =	shalt  }
0x85: {  	_ =	shalt  }
0x86: {  	_ =	shalt  }
0x87: {  	_ =	shalt  }
.Lfunc_end0:
.L_simem_size_0:
called_computation_lowered:
.L_overlay_start_0:
0x88: {  	s2 =	sld [smem:$0x3FD9]  }
0x89: {  	s3 =	sld [smem:$0x3FFE];
	_ =	sdelay $0x1  }
0x8a: {  	s1 =	srdreg.scid  }
0x8b: {  	s0 =	sand.u32 $0x1, s1  }
0x8c: {  	s17 =	sshll.u32 s0, $0xA;
	s2 =	sadd.s32 s3, s2  }
0x8d: {  	s2 =	sadd.s32 s2, s17  }
0x8e: {  	[smem:$0x3FBE] =	sst s2  }
0x8f: {  	_ = 	snop  }
0x90: {  	s2 =	sld [smem:$0x3FD0];
	(tm) =	ssettm $0x1  }
0x91: {  	s18 =	sld [smem:$0x3FFB];
	_ =	sdelay $0x3  }
0x92: {  	_ =	strace s18  }
0x93: {  	s3 =	sld [smem:$0x3FFC];
	_ =	sdelay $0x3  }
0x94: {  	_ =	strace s3  }
0x95: {  	s3 =	sld [smem:$0x3FFD];
	_ =	sdelay $0x3  }
0x96: {  	_ =	strace s3  }
0x97: {  	_ =	strace $0x8FFFFFFF  }
0x98: {  	s19 =	sld [smem:$0x3FDB];
	_ =	sdelay $0x1  }
0x99: {  	s4 =	simm.s32 $_scs_section_size  }
0x9a: {  	s5 =	simm.s32 $_size__tile_overlayer_lowered;
	s6 =	simm.s32 $_tile_overlayer_lowered  }
0x9b: {  	s22 =	simm.s32 $0x1BFF;
	s21 =	sshll.u32 s6, $0x1;
	s3 =	sadd.s32 s4, s19  }
0x9c: {  	s7 =	simm.s32 $0x0;
	s20 =	sshll.u32 s5, $0x1;
	s5 =	sadd.s32 s21, s3  }
0x9d: {  	[timem:s7], [sflag:s22] =	dma.local [hbm:s5], s20  }
0x9e: {  	_ =	swait.ge [sflag:s22], s20  }
0x9f: {  	s4 =	ssub.s32 $0x0, s20;
	[sflag:s22] =	ssyncset.done $0x0  }
0xa0: {  	[sflag:s22] =	ssyncadd.s32 s4;
	_ =	sdelay $0x1  }
0xa1: {  	s23 =	simm.s32 $0x1B8B  }
0xa2: {  	_ =	swait.ge [sflag:s23], $0x1  }
0xa3: {  	[sflag:s23] =	ssyncset.done $0x0  }
0xa4: {  	s25 =	simm.s32 $0x1B8E;
	s24 =	sld [smem:$0x3FFE];
	[sflag:s23] =	ssyncadd.s32 $0xFFFFFFFF  }
0xa5: {  	s26 =	simm.s32 $execute0_lowered;
	[smem:$0x3FD2] =	sst s25  }
0xa6: {  	s5 =	sshll.u32 s26, $0x1;
	_ =	strace $0x80000046;
	[dreg:$0x1] =	wrdreg $0xFFFFFFFF  }
0xa7: {  	s28 =	simm.s32 $_size_execute0_lowered;
	s3 =	sadd.s32 s3, s5;
	[dreg:$0x0] =	wrdreg $0x0  }
0xa8: {  	s5 =	sshll.u32 s28, $0x1;
	[dreg:$0x2] =	wrdreg s3  }
0xa9: {  	[dreg:$0x3] =	wrdreg s5  }
0xaa: {  	[dreg:$0x4] =	wrdreg $0xC0  }
0xab: {  	_ =	task [dreg:s7], $0x5FFFF  }
0xac: {  	[dreg:$0x1] =	wrdreg $0xFFFFFFFF  }
0xad: {  	[dreg:$0x0] =	wrdreg $0x60  }
0xae: {  	[dreg:$0x2] =	wrdreg s24  }
0xaf: {  	[dreg:$0x3] =	wrdreg s2  }
0xb0: {  	[dreg:$0x4] =	wrdreg $0x8A200  }
0xb1: {  	[dreg:$0x5] =	wrdreg $0x9  }
0xb2: {  	_ =	task.clear_ibuf [dreg:s7], $0x6FFFF;
	_ =	strace $0x90000046  }
0xb3: {  	s29 =	simm.s32 $0x9;
	_ =	strace $0x80000048  }
0xb4: {  	_ =	swait.ge [sflag:s29], $0x1  }
0xb5: {  	[sflag:s29] =	ssyncadd.s32 $0xFFFFFFFF  }
0xb6: {  	_ =	strace $0x90000048  }
0xb7: {  	_ =	sfence  }
0xb8: {  	s30 =	sld [smem:$0x0];
	_ =	sdelay $0x2  }
0xb9: {  	s31 =	sshll.u32 s1, $0xD;
	s1 =	sshrl.u32 s1, $0x2  }
0xba: {  	s3 =	sand.u32 $0x4000, s31;
	s1 =	sadd.s32 s1, s30  }
0xbb: {  	s0 =	sor.u32 s3, s0;
	s1 =	sshll.u32 s1, $0x11  }
0xbc: {  	s0 =	sor.u32 s1, s0  }
0xbd: {  	s0 =	sadd.s32 $0x8F2B, s0  }
0xbe: {  	[sflag:s0] =	ssyncadd.remote.s32 $0x1  }
0xbf: {  	_ =	sfence.sel $0xFFFF  }
0xc0: {  	[dreg:$0x0] =	wrdreg $0xFFFFFFFF;
	(pc) =	sbr.abs _section_cstart, $3  }
0xc1: {  	[dreg:$0x1] =	wrdreg $0xFFFFFFFF  }
0xc2: {  	_ =	task.clear_ibuf [dreg:s7], $0x2FFFF;
	_ =	strace $0x9FFFFFFF  }
0xc3: {  	(tm) =	ssettm $0x7FFFFFFF  }
tec
execute0_lowered:
.L_overlay_start_1:
0x0: {  	(tag) =	ssettag $0x1  }
0x1: {  	s5 =	rddreg [dreg:$0x0]  }
0x2: {  	s10 =	rddreg [dreg:$0x1];
	s1 =	srdreg.scid  }
0x3: {  	s0 =	stileid.u32;
	s2 =	rddreg [dreg:$0x2]  }
0x4: {  	s3 =	simm.s32 $0x0;
	s16 =	simm.s32 $0x5;
	s18 =	simm.s32 $0x50  }
0x5: {  	s19 =	simm.s32 $0x4E20;
	s20 =	simm.s32 $0x6220;
	s21 =	simm.s32 $0x4  }
0x6: {  	s22 =	simm.s32 $0x7620;
	s23 =	simm.s32 $0x1;
	s24 =	simm.s32 $0x2  }
0x7: {  	s28 =	simm.s32 $0x4DD0;
	s29 =	simm.s32 $0x0;
	s11 =	smul.u32 $0x13880, s0  }
0x8: {  	s6 =	sand.u32 $0x1, s1;
	s4 =	sshll.u32 s0, $0x1;
	s26 =	smul.u32 $0x27100, s0  }
0x9: {  	[smem:$0x7FF] =	sst s3;
	s13 =	smul.u32 $0x1388, s0;
	s4 =	sor.u32 s6, s4  }
0xa: {  	_ =	strace $0x80000047;
	s8 =	ssub.s32 $0x2, s6;
	s14 =	smul.u32 $0x13880, s6  }
0xb: {  	p0 =	seq.s32 s6, $0x1;
	s7 =	smul.u32 $0x2710, s4;
	s4 =	sadd.s32 $0x2A00, s5  }
0xc: {  	s25 =	sshrl.u32 s8, $0x1;
	s30 =	sshrl.u32 s11, $0x1;
	s11 =	sshrl.u32 s11, $0x4  }
0xd: {  	s12 =	ssub.s32 s8, s25;
	s15 =	sadd.s32 s30, s2;
	s6 =	sadd.s32 s4, s11  }
0xe: {  	s31 =	sadd.s32 s13, s14;
	s14 =	sshll.u32 @!p0 s0, $0x6;
	s25 =	simm.s32 $0x3  }
0xf: {  	s7 =	sshrl.u32 s7, $0x3;
	s10 =	sadd.s32 s10, s31;
	s11 =	smax.u32 s12, $0x1  }
0x10: {  	s12 =	sshll.u32 @p0 s0, $0x6;
	s14 =	sor.u32 @!p0 $0x1C04, s14;
	s15 =	sshrl.u32 @!p0 s15, $0x3  }
0x11: {  	s9 =	sadd.s32 s7, s5;
	s5 =	sadd.s32 $0x1600, s5;
	s7 =	sshrl.u32 s26, $0x2  }
0x12: {  	s12 =	sor.u32 @p0 $0x1C04, s12;
	s26 =	simm.s32 $0x4D80;
	s7 =	sadd.s32 s7, s2  }
0x13: {  	s8 =	sadd.s32 $0x16400, s9;
	s9 =	sadd.s32 $0x20040, s9;
	s13 =	sshrl.u32 @p0 s7, $0x3  }
.LBB2_1:
0x14: {  	[spmem:s13], [sflag:s12] =	dma.local @p0 [hbm:s5], $0x1388  }
0x15: {  	[spmem:s15], [sflag:s14] =	dma.local @!p0 [hbm:s6], $0x1388  }
0x16: {  	[tilespmem:s3], [sflag:$0x5] =	stream.linear.gather [hbm4b:s8+s3], $0x2710, $0x38;
	[tilespmem:$0x12660] =	vst v63  }
0x17: {  	_ =	swait.ge [sflag:s16], $0x2710  }
0x18: {  	[sflag:s16] =	ssyncset.done $0x0  }
0x19: {  	s0 =	simm.s32 $0x2710;
	[sflag:s16] =	ssyncadd.s32 $0xFFFFD8F0  }
0x1a: {  	[tilespmem:s0], [sflag:$0x5] =	stream.linear.gather [hbm4b:s9+s3], $0x2710, $0x38;
	[tilespmem:$0x12660] =	vst v63  }
0x1b: {  	_ =	swait.ge [sflag:s16], $0x2710  }
0x1c: {  	[sflag:s16] =	ssyncset.done $0x0  }
0x1d: {  	[sflag:s16] =	ssyncadd.s32 $0xFFFFD8F0  }
0x1e: {  	[tilespmem:s19], [sflag:$0x1] =	stream.indirect.gather [hbm4b:s4+s18], $0x40, s3, s18, $0xb8;
	[tilespmem:$0x12660] =	vst v63  }
0x1f: {  	_ = 	snop  }
0x20: {  	[tilespmem:s20], [sflag:$0x2] =	stream.indirect.gather [hbm4b:s4+s18], $0x40, s18, s18, $0xb8;
	[tilespmem:$0x12660] =	vst v63  }
0x21: {  	_ =	swait.ge [sflag:s21], $0x1388  }
0x22: {  	[sflag:s21] =	ssyncset.done $0x0  }
0x23: {  	[sflag:s21] =	ssyncadd.s32 $0xFFFFEC78  }
0x24: {  	s30 =	simm.s32 $0xA0;
	[bflag:$0x0] =	sbarrier.arrive $0xFFFF  }
0x25: {  	[tilespmem:s22], [sflag:$0x3] =	stream.indirect.gather [hbm4b:s4+s18], $0x40, s30, s18, $0xb8;
	[tilespmem:$0x12660] =	vst v63  }
0x26: {  	_ =	swait.ge [sflag:s23], $0x1400  }
0x27: {  	[sflag:s23] =	ssyncset.done $0x0  }
0x28: {  	s30 =	simm.s32 $0x2710;
	[sflag:s23] =	ssyncadd.s32 $0xFFFFEC00  }
0x29: {  	[spmem:s2] =	stream.indirect.scatter.add.bf16 [tilespmem:s19], [sflag:$0x5], $0x40, s30, s18, $0xb8;
	[tilespmem:$0x12660] =	vst v63  }
0x2a: {  	_ =	swait.ge [sflag:s16], $0x1400  }
0x2b: {  	[sflag:s16] =	ssyncset.done $0x0  }
0x2c: {  	s30 =	simm.s32 $0xF0;
	[sflag:s16] =	ssyncadd.s32 $0xFFFFEC00  }
0x2d: {  	[tilespmem:s19], [sflag:$0x1] =	stream.indirect.gather [hbm4b:s4+s18], $0x40, s30, s18, $0xb8;
	[tilespmem:$0x12660] =	vst v63  }
0x2e: {  	_ =	swait.ge [sflag:s24], $0x1400  }
0x2f: {  	[sflag:s24] =	ssyncset.done $0x0  }
0x30: {  	s30 =	simm.s32 $0x2760;
	[sflag:s24] =	ssyncadd.s32 $0xFFFFEC00  }
0x31: {  	[spmem:s2] =	stream.indirect.scatter.add.bf16 [tilespmem:s20], [sflag:$0x5], $0x40, s30, s18, $0xb8;
	[tilespmem:$0x12660] =	vst v63  }
0x32: {  	_ =	swait.ge [sflag:s16], $0x1400  }
0x33: {  	[sflag:s16] =	ssyncset.done $0x0  }
0x34: {  	s30 =	simm.s32 $0x140;
	[sflag:s16] =	ssyncadd.s32 $0xFFFFEC00  }
0x35: {  	[tilespmem:s20], [sflag:$0x2] =	stream.indirect.gather [hbm4b:s4+s18], $0x40, s30, s18, $0xb8;
	[tilespmem:$0x12660] =	vst v63  }
0x36: {  	_ =	swait.ge [sflag:s25], $0x1400  }
0x37: {  	[sflag:s25] =	ssyncset.done $0x0  }
0x38: {  	s30 =	simm.s32 $0x27B0;
	[sflag:s25] =	ssyncadd.s32 $0xFFFFEC00  }
0x39: {  	[spmem:s2] =	stream.indirect.scatter.add.bf16 [tilespmem:s22], [sflag:$0x5], $0x40, s30, s18, $0xb8;
	[tilespmem:$0x12660] =	vst v63  }
0x3a: {  	_ =	swait.ge [sflag:s16], $0x1400  }
0x3b: {  	s31 =	simm.s32 $0x780;
	s30 =	simm.s32 $0xF0;
	[sflag:s16] =	ssyncset.done $0x0  }
.LBB2_2:
0x3c: {  	s1 =	sadd.s32 $0xA0, s30  }
0x3d: {  	[sflag:s16] =	ssyncadd.s32 $0xFFFFEC00;
	s0 =	smov.u32 s31;
	s17 =	sadd.s32 $0x3C0, s31  }
0x3e: {  	[tilespmem:s22], [sflag:$0x3] =	stream.indirect.gather [hbm4b:s4+s18], $0x40, s1, s18, $0xb8;
	[tilespmem:$0x12660] =	vst v63  }
0x3f: {  	p1 =	sne.s32 s31, $0x9600;
	_ =	swait.ge [sflag:s23], $0x1400  }
0x40: {  	[sflag:s23] =	ssyncset.done $0x0  }
0x41: {  	s1 =	sadd.s32 $0x2710, s30;
	[sflag:s23] =	ssyncadd.s32 $0xFFFFEC00  }
0x42: {  	[spmem:s2] =	stream.indirect.scatter.add.bf16 [tilespmem:s19], [sflag:$0x5], $0x40, s1, s18, $0xb8;
	[tilespmem:$0x12660] =	vst v63  }
0x43: {  	_ =	swait.ge [sflag:s16], $0x1400  }
0x44: {  	[sflag:s16] =	ssyncset.done $0x0  }
0x45: {  	s1 =	sadd.s32 $0xF0, s30;
	[sflag:s16] =	ssyncadd.s32 $0xFFFFEC00  }
0x46: {  	[tilespmem:s19], [sflag:$0x1] =	stream.indirect.gather [hbm4b:s4+s18], $0x40, s1, s18, $0xb8;
	[tilespmem:$0x12660] =	vst v63  }
0x47: {  	_ =	swait.ge [sflag:s24], $0x1400  }
0x48: {  	[sflag:s24] =	ssyncset.done $0x0  }
0x49: {  	s1 =	sadd.s32 $0x2760, s30;
	[sflag:s24] =	ssyncadd.s32 $0xFFFFEC00  }
0x4a: {  	[spmem:s2] =	stream.indirect.scatter.add.bf16 [tilespmem:s20], [sflag:$0x5], $0x40, s1, s18, $0xb8;
	[tilespmem:$0x12660] =	vst v63  }
0x4b: {  	_ =	swait.ge [sflag:s16], $0x1400  }
0x4c: {  	[sflag:s16] =	ssyncset.done $0x0  }
0x4d: {  	s1 =	sadd.s32 $0x140, s30;
	[sflag:s16] =	ssyncadd.s32 $0xFFFFEC00  }
0x4e: {  	[tilespmem:s20], [sflag:$0x2] =	stream.indirect.gather [hbm4b:s4+s18], $0x40, s1, s18, $0xb8;
	[tilespmem:$0x12660] =	vst v63  }
0x4f: {  	_ =	swait.ge [sflag:s25], $0x1400  }
.Ltmp0:
0x50: {  	[sflag:s25] =	ssyncset.done $0x0;
	(pc) =	sbr.rel @p1 .LBB2_2-.Ltmp0, $4  }
0x51: {  	s1 =	sadd.s32 $0x27B0, s30;
	[sflag:s25] =	ssyncadd.s32 $0xFFFFEC00  }
0x52: {  	[spmem:s2] =	stream.indirect.scatter.add.bf16 [tilespmem:s22], [sflag:$0x5], $0x40, s1, s18, $0xb8;
	[tilespmem:$0x12660] =	vst v63  }
0x53: {  	_ =	swait.ge [sflag:s16], $0x1400  }
0x54: {  	s31 =	smov.u32 s17;
	s30 =	sshra.s32 s0, $0x2;
	[sflag:s16] =	ssyncset.done $0x0  }
0x55: {  	s0 =	sadd.s32 $0xA0, s30;
	[sflag:s16] =	ssyncadd.s32 $0xFFFFEC00  }
0x56: {  	[tilespmem:s22], [sflag:$0x3] =	stream.indirect.gather [hbm4b:s4+s18], $0x40, s0, s18, $0xb8;
	[tilespmem:$0x12660] =	vst v63  }
0x57: {  	_ =	swait.ge [sflag:s23], $0x1400  }
0x58: {  	[sflag:s23] =	ssyncset.done $0x0  }
0x59: {  	s17 =	sadd.s32 $0x2710, s30;
	[sflag:s23] =	ssyncadd.s32 $0xFFFFEC00  }
0x5a: {  	[spmem:s2] =	stream.indirect.scatter.add.bf16 [tilespmem:s19], [sflag:$0x5], $0x40, s17, s18, $0xb8;
	[tilespmem:$0x12660] =	vst v63  }
0x5b: {  	_ =	swait.ge [sflag:s16], $0x1400  }
0x5c: {  	[sflag:s16] =	ssyncset.done $0x0  }
0x5d: {  	s31 =	sadd.s32 $0xF0, s30;
	[sflag:s16] =	ssyncadd.s32 $0xFFFFEC00  }
0x5e: {  	[tilespmem:s19], [sflag:$0x1] =	stream.indirect.gather [hbm4b:s4+s18], $0x40, s31, s18, $0xb8;
	[tilespmem:$0x12660] =	vst v63  }
0x5f: {  	_ =	swait.ge [sflag:s24], $0x1400  }
0x60: {  	[sflag:s24] =	ssyncset.done $0x0  }
0x61: {  	s1 =	sadd.s32 $0x2760, s30;
	[sflag:s24] =	ssyncadd.s32 $0xFFFFEC00  }
0x62: {  	[spmem:s2] =	stream.indirect.scatter.add.bf16 [tilespmem:s20], [sflag:$0x5], $0x40, s1, s18, $0xb8;
	[tilespmem:$0x12660] =	vst v63  }
0x63: {  	_ =	swait.ge [sflag:s16], $0x1400  }
0x64: {  	[sflag:s16] =	ssyncset.done $0x0  }
0x65: {  	s17 =	sadd.s32 $0x140, s30;
	[sflag:s16] =	ssyncadd.s32 $0xFFFFEC00  }
0x66: {  	[tilespmem:s20], [sflag:$0x2] =	stream.indirect.gather [hbm4b:s4+s18], $0x40, s17, s18, $0xb8;
	[tilespmem:$0x12660] =	vst v63  }
0x67: {  	_ =	swait.ge [sflag:s25], $0x1400  }
0x68: {  	[sflag:s25] =	ssyncset.done $0x0  }
0x69: {  	s30 =	sadd.s32 $0x27B0, s30;
	[sflag:s25] =	ssyncadd.s32 $0xFFFFEC00  }
0x6a: {  	[spmem:s2] =	stream.indirect.scatter.add.bf16 [tilespmem:s22], [sflag:$0x5], $0x40, s30, s18, $0xb8;
	[tilespmem:$0x12660] =	vst v63  }
0x6b: {  	_ =	swait.ge [sflag:s16], $0x1400  }
0x6c: {  	[sflag:s16] =	ssyncset.done $0x0  }
0x6d: {  	[sflag:s16] =	ssyncadd.s32 $0xFFFFEC00  }
0x6e: {  	_ =	swait.ge [sflag:s23], $0x1400  }
0x6f: {  	[sflag:s23] =	ssyncset.done $0x0  }
0x70: {  	[sflag:s23] =	ssyncadd.s32 $0xFFFFEC00  }
0x71: {  	[spmem:s2] =	stream.indirect.scatter.add.bf16 [tilespmem:s19], [sflag:$0x5], $0x40, s26, s18, $0xb8;
	[tilespmem:$0x12660] =	vst v63  }
0x72: {  	_ =	swait.ge [sflag:s16], $0x1400  }
0x73: {  	[sflag:s16] =	ssyncset.done $0x0  }
0x74: {  	[sflag:s16] =	ssyncadd.s32 $0xFFFFEC00  }
0x75: {  	_ =	swait.ge [sflag:s24], $0x1400  }
0x76: {  	[sflag:s24] =	ssyncset.done $0x0  }
0x77: {  	[sflag:s24] =	ssyncadd.s32 $0xFFFFEC00  }
0x78: {  	[spmem:s2] =	stream.indirect.scatter.add.bf16 [tilespmem:s20], [sflag:$0x5], $0x40, s28, s18, $0xb8;
	[tilespmem:$0x12660] =	vst v63  }
0x79: {  	s31 =	stileid.u32;
	_ =	swait.ge [sflag:s16], $0x1400  }
0x7a: {  	s29 =	sadd.s32 $0x1, s29;
	s0 =	sshll.u32 s31, $0x6;
	[sflag:s16] =	ssyncset.done $0x0  }
0x7b: {  	p1 =	sne.s32 s29, s11;
	s0 =	sor.u32 $0x1C05, s0;
	[sflag:s16] =	ssyncadd.s32 $0xFFFFEC00  }
.Ltmp1:
0x7c: {  	s1 =	sshrl.u32 s7, $0x3;
	[bflag:$0x0] =	sbarrier.arrive $0xFFFF;
	(pc) =	sbr.rel @p1 .LBB2_1-.Ltmp1, $4  }
0x7d: {  	[hbm:s10], [sflag:s0] =	dma.local [spmem:s1], $0x1388  }
0x7e: {  	_ =	swait.ge [sflag:s16], $0x1388  }
0x7f: {  	[sflag:s16] =	ssyncset.done $0x0  }
0x80: {  	[sflag:s16] =	ssyncadd.s32 $0xFFFFEC78  }
0x81: {  	_ =	sfence.sel $0x180000  }
0x82: {  	[bflag:$0x0] =	sbarrier.arrive $0xFFFF  }
0x83: {  	_ =	strace $0x90000047  }
0x84: {  	s0 =	stileid.u32;
	[bflag:$0x2] =	sbarrier.arrive $0xFFFF  }
0x85: {  	p0 =	sne.s32 s0, $0x0;
	s0 =	rddreg [dreg:$0x3]  }
0x86: {  	s0 =	sadd.s32 @!p0 $0x100000, s0  }
0x87: {  	[sflag:s0] =	ssyncadd.tile.s32 @!p0 $0x1;
	_ =	shalt  }
.Lfunc_end2:
_tile_overlayer_lowered:
.L_overlay_start_2:
0x88: {  	(tag) =	ssettag $0x2  }
0x89: {  	s0 =	rddreg [dreg:$0x0];
	s2 =	stileid.u32  }
0x8a: {  	s1 =	rddreg [dreg:$0x1];
	p0 =	sne.s32 s2, $0x0  }
0x8b: {  	s3 =	rddreg [dreg:$0x2];
	[bflag:$0x3] =	sbarrier.arrive $0xFFFF;
	s2 =	simm.s32 @!p0 $0x1C05  }
0x8c: {  	[timem:s3], [sflag:s2] =	dma.local @!p0 [hbm:s0], s1  }
0x8d: {  	s0 =	simm.s32 @!p0 $0x5  }
0x8e: {  	_ =	swait.ge @!p0 [sflag:s0], s1  }
0x8f: {  	s1 =	ssub.s32 @!p0 $0x0, s1;
	[sflag:s0] =	ssyncset.done @!p0 $0x0  }
0x90: {  	[sflag:s0] =	ssyncadd.s32 @!p0 s1  }
0x91: {  	[bflag:$0x3] =	sbarrier.arrive $0xFFFF  }
0x92: {  	_ =	shalt  }

</sc_bundles>
